<compile_context>
chip_gen: v7x
topology: tpu7x:2x2x1
jax: 0.10.2.dev20260603
libtpu: 0.0.44.dev20260713+nightly
codegen_flags: <defaults>
</compile_context>

<pallas_src>
import dataclasses
import functools

import numpy as np
import jax
import jax.numpy as jnp
from jax import lax
from jax.experimental import pallas as pl
from jax.experimental.pallas import tpu as pltpu
from jax.experimental.pallas import tpu_sc as plsc

N_ROWS = 16384
N_COLS = 1000
SC_COLS = 512
_NUM_CORES = 2
_NUM_SUBCORES = 16
_NW = _NUM_CORES * _NUM_SUBCORES
_CHUNK = 64

TC_B = 2048


def _sc_partial(x, row_base, rows):
    rpw = rows // _NW
    nreg = SC_COLS // 16
    mesh = plsc.VectorSubcoreMesh(core_axis_name="c", subcore_axis_name="s")
    out_sd = [
        jax.ShapeDtypeStruct((rows,), jnp.float32),
        jax.ShapeDtypeStruct((rows,), jnp.int32),
    ]
    cp = pltpu.CompilerParams()
    if "needs_layout_passes" in pltpu.CompilerParams.__dataclass_fields__:
        cp = dataclasses.replace(cp, needs_layout_passes=False)

    @functools.partial(
        pl.kernel,
        mesh=mesh,
        out_type=out_sd,
        compiler_params=cp,
        scratch_types=[
            pltpu.VMEM((_CHUNK, 128), jnp.float32),
            pltpu.VMEM((_CHUNK, 128), jnp.float32),
            pltpu.VMEM((_CHUNK, 128), jnp.float32),
            pltpu.VMEM((_CHUNK, 128), jnp.float32),
            pltpu.VMEM((16, 16), jnp.float32),
            pltpu.VMEM((16, 16), jnp.int32),
            pltpu.VMEM((rpw,), jnp.float32),
            pltpu.VMEM((rpw,), jnp.int32),
        ],
    )
    def k(x_hbm, mv_hbm, mc_hbm, p0, p1, p2, p3, mvT, mcT, omv, omc):
        wid = lax.axis_index("s") * _NUM_CORES + lax.axis_index("c")
        ar16 = lax.broadcasted_iota(jnp.int32, (16,), 0)
        panels = [p0, p1, p2, p3]

        @pl.loop(0, rpw // _CHUNK)
        def _(chunk):
            local_lo = wid * rpw + chunk * _CHUNK
            lo = pl.multiple_of(row_base + local_lo, _CHUNK)
            for p_ in range(4):
                pltpu.sync_copy(
                    x_hbm.at[pl.ds(lo, _CHUNK), pl.ds(p_ * 128, 128)], panels[p_]
                )

            @pl.loop(0, _CHUNK // 16)
            def _(g):
                @pl.loop(0, 16)
                def _(rr):
                    r = g * 16 + rr
                    mv = p0.at[r, pl.ds(0, 16)][...]
                    mc = jnp.zeros((16,), jnp.int32)
                    for k_ in range(1, nreg):
                        src = panels[k_ // 8]
                        off = (k_ % 8) * 16
                        v = src.at[r, pl.ds(off, 16)][...]
                        upd = v > mv
                        mv = jnp.where(upd, v, mv)
                        mc = jnp.where(upd, jnp.full((16,), k_, jnp.int32), mc)
                    rvec = jnp.full((16,), rr, jnp.int32)
                    plsc.store_scatter(mvT, [ar16, rvec], mv)
                    plsc.store_scatter(mcT, [ar16, rvec], mc)

                bm = mvT.at[0, pl.ds(0, 16)][...]
                bc = mcT.at[0, pl.ds(0, 16)][...] * 16
                for l in range(1, 16):
                    v = mvT.at[l, pl.ds(0, 16)][...]
                    c = mcT.at[l, pl.ds(0, 16)][...] * 16 + l
                    upd = (v > bm) | ((v == bm) & (c < bc))
                    bm = jnp.where(upd, v, bm)
                    bc = jnp.where(upd, c, bc)
                obase = chunk * _CHUNK + g * 16
                omv.at[pl.ds(obase, 16)][...] = bm
                omc.at[pl.ds(obase, 16)][...] = bc

        dst = pl.ds(pl.multiple_of(wid * rpw, rpw), rpw)
        pltpu.sync_copy(omv, mv_hbm.at[dst])
        pltpu.sync_copy(omc, mc_hbm.at[dst])

    return k(x)


def _tc_body(x_ref, scmv_ref, scmc_ref, t_ref, o_ref):
    b = x_ref.shape[0]
    xb = x_ref[...]
    colg = SC_COLS + lax.broadcasted_iota(jnp.int32, (b, 512), 1)
    xa = jnp.where(colg < N_COLS, xb, -jnp.inf)
    m1 = jnp.max(xa, axis=1, keepdims=True)
    scv = jnp.reshape(scmv_ref[...], (b, 1))
    scc = jnp.reshape(scmc_ref[...], (b, 1))
    mm = jnp.maximum(m1, scv)
    c1 = jnp.min(jnp.where(xa == mm, colg, N_COLS), axis=1, keepdims=True)
    c2 = jnp.where(scv == mm, scc, N_COLS)
    idx = jnp.minimum(c1, c2)
    cols = lax.broadcasted_iota(jnp.int32, (b, N_COLS), 1)
    onehot = (cols == idx).astype(jnp.float32)
    o_ref[...] = jnp.dot(onehot, t_ref[...], preferred_element_type=jnp.float32)


def _tc_combine(x, scmv, scmc, table):
    n, c = x.shape
    d = table.shape[1]
    return pl.pallas_call(
        _tc_body,
        grid=(n // TC_B,),
        in_specs=[
            pl.BlockSpec((TC_B, 512), lambda i: (i, 1)),
            pl.BlockSpec((TC_B,), lambda i: (i,)),
            pl.BlockSpec((TC_B,), lambda i: (i,)),
            pl.BlockSpec((c, d), lambda i: (0, 0)),
        ],
        out_specs=pl.BlockSpec((TC_B, d), lambda i: (i, 0)),
        out_shape=jax.ShapeDtypeStruct((n, d), jnp.float32),
    )(x, scmv, scmc, table)


def kernel(x, table):
    scmv, scmc = _sc_partial(x, 0, N_ROWS)
    return _tc_combine(x, scmv, scmc, table)

# --- scband reference (transcript-rebuilt; emitter-appended) ---
"""Pipeline reference for scband-initialization-49151605735563 (READ-ONLY COPY).

The authoritative reference and input builder live on the scoring server;
editing this copy changes nothing except your own understanding.
"""

import jax, jax.numpy as jnp
import numpy as np

IN_CHANNELS = 1000
OUT_CHANNELS = 32


def setup_inputs(seed: int = 0) -> dict:
    key = jax.random.key(seed)
    kx, kw = jax.random.split(key)
    x = jax.random.normal(kx, (16384, IN_CHANNELS), dtype=jnp.float32)
    # xavier_normal_ init: std = sqrt(2 / (fan_in + fan_out)) for weight [num_embeddings, embedding_dim]
    std = float(np.sqrt(2.0 / (IN_CHANNELS + OUT_CHANNELS)))
    table = jax.random.normal(kw, (IN_CHANNELS, OUT_CHANNELS), dtype=jnp.float32) * std
    return {"x": x, "table": table}


def reference(x, table):
    # indices = argmax(x, dim=1); output = embedding(indices)
    indices = jnp.argmax(x, axis=1)
    output = jnp.take(table, indices, axis=0)
    return output

if __name__ == "__main__":
    import jax
    _d = setup_inputs()
    print(jax.jit(kernel)(*tuple(_d.values())))

</pallas_src>

<mosaic_0001>
#map = affine_map<(d0, d1) -> (0, 0)>
#map1 = affine_map<(d0, d1) -> (0)>
module attributes {stable_mosaic.version = 14 : i64} {
  func.func @k(%arg0: i32, %arg1: i32, %arg2: memref<16384x1000xf32, #tpu.memory_space<hbm>>, %arg3: memref<16384xf32, #tpu.memory_space<hbm>>, %arg4: memref<16384xi32, #tpu.memory_space<hbm>>, %arg5: memref<64x128xf32, #tpu.memory_space<vmem>>, %arg6: memref<64x128xf32, #tpu.memory_space<vmem>>, %arg7: memref<64x128xf32, #tpu.memory_space<vmem>>, %arg8: memref<64x128xf32, #tpu.memory_space<vmem>>, %arg9: memref<16x16xf32, #tpu.memory_space<vmem>>, %arg10: memref<16x16xi32, #tpu.memory_space<vmem>>, %arg11: memref<512xf32, #tpu.memory_space<vmem>>, %arg12: memref<512xi32, #tpu.memory_space<vmem>>) attributes {dimension_semantics = [#tpu.dimension_semantics<core_parallel>, #tpu.dimension_semantics<subcore_parallel>], iteration_bounds = array<i64: 2, 16>, scalar_prefetch = 0 : i64, scratch_operands = 8 : i64, tpu.core_type = #tpu.core_type<sc_vector_subcore>, window_params = [{transform_indices = #map}, {transform_indices = #map1}, {transform_indices = #map1}]} {
    %mul3A = arith.constant 2 : i32
    %mul3A_0 = arith.muli %arg1, %mul3A : i32
    %add3A = arith.addi %mul3A_0, %arg0 : i32
    %iota3A = tpu.iota {dimensions = array<i32: 0>} : vector<16xi32>
    %scan3A = arith.constant 0 : i32
    %scan3A_1 = arith.constant 8 : i32
    %scan3A_2 = arith.addi %scan3A, %scan3A_1 : i32
    %scan3A_3 = arith.constant 1 : i32
    scf.for %scan3A_7 = %scan3A to %scan3A_2 step %scan3A_3  : i32 {
      %mul3A_8 = arith.constant 1 : i32
      %mul3A_9 = arith.muli %scan3A_7, %mul3A_8 : i32
      %add3A_10 = arith.constant 0 : i32
      %add3A_11 = arith.addi %add3A_10, %mul3A_9 : i32
      %mul3A_12 = arith.constant 512 : i32
      %mul3A_13 = arith.muli %add3A, %mul3A_12 : i32
      %mul3A_14 = arith.constant 64 : i32
      %mul3A_15 = arith.muli %add3A_11, %mul3A_14 : i32
      %add3A_16 = arith.addi %mul3A_13, %mul3A_15 : i32
      %add3A_17 = arith.constant 0 : i32
      %add3A_18 = arith.addi %add3A_17, %add3A_16 : i32
      %multiple_of3A_19 = tpu.assume_multiple %add3A_18, 64 : i32
      "tpu.region"() ({
        %run_scoped3A = tpu.sem_alloc : memref<!tpu.dma_semaphore, #tpu.memory_space<semaphore_mem>>
        %dma_start3A = arith.constant 0 : i32
        %dma_start3A_25 = tpu.memref_slice %arg2[%multiple_of3A_19, %dma_start3A] : memref<16384x1000xf32, #tpu.memory_space<hbm>> -> memref<64x128xf32, #tpu.memory_space<hbm>>
        %dma_start3A_26 = arith.constant 0 : i32
        %dma_start3A_27 = tpu.memref_slice %arg2[%multiple_of3A_19, %dma_start3A_26] : memref<16384x1000xf32, #tpu.memory_space<hbm>> -> memref<64x128xf32, #tpu.memory_space<hbm>>
        tpu.enqueue_dma source(%dma_start3A_27 : memref<64x128xf32, #tpu.memory_space<hbm>>) target(%arg5 : memref<64x128xf32, #tpu.memory_space<vmem>>) target_semaphore(%run_scoped3A : memref<!tpu.dma_semaphore, #tpu.memory_space<semaphore_mem>>)
        %dma_wait3A = arith.constant 0 : i32
        %dma_wait3A_28 = tpu.memref_slice %arg2[%multiple_of3A_19, %dma_wait3A] : memref<16384x1000xf32, #tpu.memory_space<hbm>> -> memref<64x128xf32, #tpu.memory_space<hbm>>
        %dma_wait3A_29 = arith.constant 0 : i32
        %dma_wait3A_30 = tpu.memref_slice %arg2[%multiple_of3A_19, %dma_wait3A_29] : memref<16384x1000xf32, #tpu.memory_space<hbm>> -> memref<64x128xf32, #tpu.memory_space<hbm>>
        tpu.wait_dma2 semaphore(%run_scoped3A : memref<!tpu.dma_semaphore, #tpu.memory_space<semaphore_mem>>) src(%dma_wait3A_30 : memref<64x128xf32, #tpu.memory_space<hbm>>) dst(%arg5 : memref<64x128xf32, #tpu.memory_space<vmem>>)
        tpu.yield
      }) : () -> ()
      "tpu.region"() ({
        %run_scoped3A = tpu.sem_alloc : memref<!tpu.dma_semaphore, #tpu.memory_space<semaphore_mem>>
        %dma_start3A = arith.constant 128 : i32
        %dma_start3A_25 = tpu.memref_slice %arg2[%multiple_of3A_19, %dma_start3A] : memref<16384x1000xf32, #tpu.memory_space<hbm>> -> memref<64x128xf32, #tpu.memory_space<hbm>>
        %dma_start3A_26 = arith.constant 128 : i32
        %dma_start3A_27 = tpu.memref_slice %arg2[%multiple_of3A_19, %dma_start3A_26] : memref<16384x1000xf32, #tpu.memory_space<hbm>> -> memref<64x128xf32, #tpu.memory_space<hbm>>
        tpu.enqueue_dma source(%dma_start3A_27 : memref<64x128xf32, #tpu.memory_space<hbm>>) target(%arg6 : memref<64x128xf32, #tpu.memory_space<vmem>>) target_semaphore(%run_scoped3A : memref<!tpu.dma_semaphore, #tpu.memory_space<semaphore_mem>>)
        %dma_wait3A = arith.constant 128 : i32
        %dma_wait3A_28 = tpu.memref_slice %arg2[%multiple_of3A_19, %dma_wait3A] : memref<16384x1000xf32, #tpu.memory_space<hbm>> -> memref<64x128xf32, #tpu.memory_space<hbm>>
        %dma_wait3A_29 = arith.constant 128 : i32
        %dma_wait3A_30 = tpu.memref_slice %arg2[%multiple_of3A_19, %dma_wait3A_29] : memref<16384x1000xf32, #tpu.memory_space<hbm>> -> memref<64x128xf32, #tpu.memory_space<hbm>>
        tpu.wait_dma2 semaphore(%run_scoped3A : memref<!tpu.dma_semaphore, #tpu.memory_space<semaphore_mem>>) src(%dma_wait3A_30 : memref<64x128xf32, #tpu.memory_space<hbm>>) dst(%arg6 : memref<64x128xf32, #tpu.memory_space<vmem>>)
        tpu.yield
      }) : () -> ()
      "tpu.region"() ({
        %run_scoped3A = tpu.sem_alloc : memref<!tpu.dma_semaphore, #tpu.memory_space<semaphore_mem>>
        %dma_start3A = arith.constant 256 : i32
        %dma_start3A_25 = tpu.memref_slice %arg2[%multiple_of3A_19, %dma_start3A] : memref<16384x1000xf32, #tpu.memory_space<hbm>> -> memref<64x128xf32, #tpu.memory_space<hbm>>
        %dma_start3A_26 = arith.constant 256 : i32
        %dma_start3A_27 = tpu.memref_slice %arg2[%multiple_of3A_19, %dma_start3A_26] : memref<16384x1000xf32, #tpu.memory_space<hbm>> -> memref<64x128xf32, #tpu.memory_space<hbm>>
        tpu.enqueue_dma source(%dma_start3A_27 : memref<64x128xf32, #tpu.memory_space<hbm>>) target(%arg7 : memref<64x128xf32, #tpu.memory_space<vmem>>) target_semaphore(%run_scoped3A : memref<!tpu.dma_semaphore, #tpu.memory_space<semaphore_mem>>)
        %dma_wait3A = arith.constant 256 : i32
        %dma_wait3A_28 = tpu.memref_slice %arg2[%multiple_of3A_19, %dma_wait3A] : memref<16384x1000xf32, #tpu.memory_space<hbm>> -> memref<64x128xf32, #tpu.memory_space<hbm>>
        %dma_wait3A_29 = arith.constant 256 : i32
        %dma_wait3A_30 = tpu.memref_slice %arg2[%multiple_of3A_19, %dma_wait3A_29] : memref<16384x1000xf32, #tpu.memory_space<hbm>> -> memref<64x128xf32, #tpu.memory_space<hbm>>
        tpu.wait_dma2 semaphore(%run_scoped3A : memref<!tpu.dma_semaphore, #tpu.memory_space<semaphore_mem>>) src(%dma_wait3A_30 : memref<64x128xf32, #tpu.memory_space<hbm>>) dst(%arg7 : memref<64x128xf32, #tpu.memory_space<vmem>>)
        tpu.yield
      }) : () -> ()
      "tpu.region"() ({
        %run_scoped3A = tpu.sem_alloc : memref<!tpu.dma_semaphore, #tpu.memory_space<semaphore_mem>>
        %dma_start3A = arith.constant 384 : i32
        %dma_start3A_25 = tpu.memref_slice %arg2[%multiple_of3A_19, %dma_start3A] : memref<16384x1000xf32, #tpu.memory_space<hbm>> -> memref<64x128xf32, #tpu.memory_space<hbm>>
        %dma_start3A_26 = arith.constant 384 : i32
        %dma_start3A_27 = tpu.memref_slice %arg2[%multiple_of3A_19, %dma_start3A_26] : memref<16384x1000xf32, #tpu.memory_space<hbm>> -> memref<64x128xf32, #tpu.memory_space<hbm>>
        tpu.enqueue_dma source(%dma_start3A_27 : memref<64x128xf32, #tpu.memory_space<hbm>>) target(%arg8 : memref<64x128xf32, #tpu.memory_space<vmem>>) target_semaphore(%run_scoped3A : memref<!tpu.dma_semaphore, #tpu.memory_space<semaphore_mem>>)
        %dma_wait3A = arith.constant 384 : i32
        %dma_wait3A_28 = tpu.memref_slice %arg2[%multiple_of3A_19, %dma_wait3A] : memref<16384x1000xf32, #tpu.memory_space<hbm>> -> memref<64x128xf32, #tpu.memory_space<hbm>>
        %dma_wait3A_29 = arith.constant 384 : i32
        %dma_wait3A_30 = tpu.memref_slice %arg2[%multiple_of3A_19, %dma_wait3A_29] : memref<16384x1000xf32, #tpu.memory_space<hbm>> -> memref<64x128xf32, #tpu.memory_space<hbm>>
        tpu.wait_dma2 semaphore(%run_scoped3A : memref<!tpu.dma_semaphore, #tpu.memory_space<semaphore_mem>>) src(%dma_wait3A_30 : memref<64x128xf32, #tpu.memory_space<hbm>>) dst(%arg8 : memref<64x128xf32, #tpu.memory_space<vmem>>)
        tpu.yield
      }) : () -> ()
      %scan3A_20 = arith.constant 0 : i32
      %scan3A_21 = arith.constant 4 : i32
      %scan3A_22 = arith.addi %scan3A_20, %scan3A_21 : i32
      %scan3A_23 = arith.constant 1 : i32
      scf.for %scan3A_25 = %scan3A_20 to %scan3A_22 step %scan3A_23  : i32 {
        %mul3A_26 = arith.constant 1 : i32
        %mul3A_27 = arith.muli %scan3A_25, %mul3A_26 : i32
        %add3A_28 = arith.constant 0 : i32
        %add3A_29 = arith.addi %add3A_28, %mul3A_27 : i32
        %scan3A_30 = arith.constant 0 : i32
        %scan3A_31 = arith.constant 16 : i32
        %scan3A_32 = arith.addi %scan3A_30, %scan3A_31 : i32
        %scan3A_33 = arith.constant 1 : i32
        scf.for %scan3A_362 = %scan3A_30 to %scan3A_32 step %scan3A_33  : i32 {
          %mul3A_363 = arith.constant 1 : i32
          %mul3A_364 = arith.muli %scan3A_362, %mul3A_363 : i32
          %add3A_365 = arith.constant 0 : i32
          %add3A_366 = arith.addi %add3A_365, %mul3A_364 : i32
          %mul3A_367 = arith.constant 16 : i32
          %mul3A_368 = arith.muli %add3A_29, %mul3A_367 : i32
          %add3A_369 = arith.addi %mul3A_368, %add3A_366 : i32
          %get3A_370 = arith.index_cast %add3A_369 : i32 to index
          %get3A_371 = arith.constant 0 : index
          %get3A_372 = tpu.vector_load %arg5[%get3A_370, %get3A_371] {strides = array<i32>} : memref<64x128xf32, #tpu.memory_space<vmem>>, vector<16xf32>,
          %broadcast_in_dim3A = arith.constant 0 : i32
          %broadcast_in_dim3A_373 = vector.broadcast %broadcast_in_dim3A : i32 to vector<16xi32>
          %get3A_374 = arith.index_cast %add3A_369 : i32 to index
          %get3A_375 = arith.constant 16 : index
          %get3A_376 = tpu.vector_load %arg5[%get3A_374, %get3A_375] {strides = array<i32>} : memref<64x128xf32, #tpu.memory_space<vmem>>, vector<16xf32>,
          %gt3A_377 = arith.cmpf ogt, %get3A_376, %get3A_372 : vector<16xf32>
          %select_n3A_378 = arith.select %gt3A_377, %get3A_376, %get3A_372 : vector<16xi1>, vector<16xf32>
          %broadcast_in_dim3A_379 = arith.constant 1 : i32
          %broadcast_in_dim3A_380 = vector.broadcast %broadcast_in_dim3A_379 : i32 to vector<16xi32>
          %select_n3A_381 = arith.select %gt3A_377, %broadcast_in_dim3A_380, %broadcast_in_dim3A_373 : vector<16xi1>, vector<16xi32>
          %get3A_382 = arith.index_cast %add3A_369 : i32 to index
          %get3A_383 = arith.constant 32 : index
          %get3A_384 = tpu.vector_load %arg5[%get3A_382, %get3A_383] {strides = array<i32>} : memref<64x128xf32, #tpu.memory_space<vmem>>, vector<16xf32>,
          %gt3A_385 = arith.cmpf ogt, %get3A_384, %select_n3A_378 : vector<16xf32>
          %select_n3A_386 = arith.select %gt3A_385, %get3A_384, %select_n3A_378 : vector<16xi1>, vector<16xf32>
          %broadcast_in_dim3A_387 = arith.constant 2 : i32
          %broadcast_in_dim3A_388 = vector.broadcast %broadcast_in_dim3A_387 : i32 to vector<16xi32>
          %select_n3A_389 = arith.select %gt3A_385, %broadcast_in_dim3A_388, %select_n3A_381 : vector<16xi1>, vector<16xi32>
          %get3A_390 = arith.index_cast %add3A_369 : i32 to index
          %get3A_391 = arith.constant 48 : index
          %get3A_392 = tpu.vector_load %arg5[%get3A_390, %get3A_391] {strides = array<i32>} : memref<64x128xf32, #tpu.memory_space<vmem>>, vector<16xf32>,
          %gt3A_393 = arith.cmpf ogt, %get3A_392, %select_n3A_386 : vector<16xf32>
          %select_n3A_394 = arith.select %gt3A_393, %get3A_392, %select_n3A_386 : vector<16xi1>, vector<16xf32>
          %broadcast_in_dim3A_395 = arith.constant 3 : i32
          %broadcast_in_dim3A_396 = vector.broadcast %broadcast_in_dim3A_395 : i32 to vector<16xi32>
          %select_n3A_397 = arith.select %gt3A_393, %broadcast_in_dim3A_396, %select_n3A_389 : vector<16xi1>, vector<16xi32>
          %get3A_398 = arith.index_cast %add3A_369 : i32 to index
          %get3A_399 = arith.constant 64 : index
          %get3A_400 = tpu.vector_load %arg5[%get3A_398, %get3A_399] {strides = array<i32>} : memref<64x128xf32, #tpu.memory_space<vmem>>, vector<16xf32>,
          %gt3A_401 = arith.cmpf ogt, %get3A_400, %select_n3A_394 : vector<16xf32>
          %select_n3A_402 = arith.select %gt3A_401, %get3A_400, %select_n3A_394 : vector<16xi1>, vector<16xf32>
          %broadcast_in_dim3A_403 = arith.constant 4 : i32
          %broadcast_in_dim3A_404 = vector.broadcast %broadcast_in_dim3A_403 : i32 to vector<16xi32>
          %select_n3A_405 = arith.select %gt3A_401, %broadcast_in_dim3A_404, %select_n3A_397 : vector<16xi1>, vector<16xi32>
          %get3A_406 = arith.index_cast %add3A_369 : i32 to index
          %get3A_407 = arith.constant 80 : index
          %get3A_408 = tpu.vector_load %arg5[%get3A_406, %get3A_407] {strides = array<i32>} : memref<64x128xf32, #tpu.memory_space<vmem>>, vector<16xf32>,
          %gt3A_409 = arith.cmpf ogt, %get3A_408, %select_n3A_402 : vector<16xf32>
          %select_n3A_410 = arith.select %gt3A_409, %get3A_408, %select_n3A_402 : vector<16xi1>, vector<16xf32>
          %broadcast_in_dim3A_411 = arith.constant 5 : i32
          %broadcast_in_dim3A_412 = vector.broadcast %broadcast_in_dim3A_411 : i32 to vector<16xi32>
          %select_n3A_413 = arith.select %gt3A_409, %broadcast_in_dim3A_412, %select_n3A_405 : vector<16xi1>, vector<16xi32>
          %get3A_414 = arith.index_cast %add3A_369 : i32 to index
          %get3A_415 = arith.constant 96 : index
          %get3A_416 = tpu.vector_load %arg5[%get3A_414, %get3A_415] {strides = array<i32>} : memref<64x128xf32, #tpu.memory_space<vmem>>, vector<16xf32>,
          %gt3A_417 = arith.cmpf ogt, %get3A_416, %select_n3A_410 : vector<16xf32>
          %select_n3A_418 = arith.select %gt3A_417, %get3A_416, %select_n3A_410 : vector<16xi1>, vector<16xf32>
          %broadcast_in_dim3A_419 = arith.constant 6 : i32
          %broadcast_in_dim3A_420 = vector.broadcast %broadcast_in_dim3A_419 : i32 to vector<16xi32>
          %select_n3A_421 = arith.select %gt3A_417, %broadcast_in_dim3A_420, %select_n3A_413 : vector<16xi1>, vector<16xi32>
          %get3A_422 = arith.index_cast %add3A_369 : i32 to index
          %get3A_423 = arith.constant 112 : index
          %get3A_424 = tpu.vector_load %arg5[%get3A_422, %get3A_423] {strides = array<i32>} : memref<64x128xf32, #tpu.memory_space<vmem>>, vector<16xf32>,
          %gt3A_425 = arith.cmpf ogt, %get3A_424, %select_n3A_418 : vector<16xf32>
          %select_n3A_426 = arith.select %gt3A_425, %get3A_424, %select_n3A_418 : vector<16xi1>, vector<16xf32>
          %broadcast_in_dim3A_427 = arith.constant 7 : i32
          %broadcast_in_dim3A_428 = vector.broadcast %broadcast_in_dim3A_427 : i32 to vector<16xi32>
          %select_n3A_429 = arith.select %gt3A_425, %broadcast_in_dim3A_428, %select_n3A_421 : vector<16xi1>, vector<16xi32>
          %get3A_430 = arith.index_cast %add3A_369 : i32 to index
          %get3A_431 = arith.constant 0 : index
          %get3A_432 = tpu.vector_load %arg6[%get3A_430, %get3A_431] {strides = array<i32>} : memref<64x128xf32, #tpu.memory_space<vmem>>, vector<16xf32>,
          %gt3A_433 = arith.cmpf ogt, %get3A_432, %select_n3A_426 : vector<16xf32>
          %select_n3A_434 = arith.select %gt3A_433, %get3A_432, %select_n3A_426 : vector<16xi1>, vector<16xf32>
          %broadcast_in_dim3A_435 = arith.constant 8 : i32
          %broadcast_in_dim3A_436 = vector.broadcast %broadcast_in_dim3A_435 : i32 to vector<16xi32>
          %select_n3A_437 = arith.select %gt3A_433, %broadcast_in_dim3A_436, %select_n3A_429 : vector<16xi1>, vector<16xi32>
          %get3A_438 = arith.index_cast %add3A_369 : i32 to index
          %get3A_439 = arith.constant 16 : index
          %get3A_440 = tpu.vector_load %arg6[%get3A_438, %get3A_439] {strides = array<i32>} : memref<64x128xf32, #tpu.memory_space<vmem>>, vector<16xf32>,
          %gt3A_441 = arith.cmpf ogt, %get3A_440, %select_n3A_434 : vector<16xf32>
          %select_n3A_442 = arith.select %gt3A_441, %get3A_440, %select_n3A_434 : vector<16xi1>, vector<16xf32>
          %broadcast_in_dim3A_443 = arith.constant 9 : i32
          %broadcast_in_dim3A_444 = vector.broadcast %broadcast_in_dim3A_443 : i32 to vector<16xi32>
          %select_n3A_445 = arith.select %gt3A_441, %broadcast_in_dim3A_444, %select_n3A_437 : vector<16xi1>, vector<16xi32>
          %get3A_446 = arith.index_cast %add3A_369 : i32 to index
          %get3A_447 = arith.constant 32 : index
          %get3A_448 = tpu.vector_load %arg6[%get3A_446, %get3A_447] {strides = array<i32>} : memref<64x128xf32, #tpu.memory_space<vmem>>, vector<16xf32>,
          %gt3A_449 = arith.cmpf ogt, %get3A_448, %select_n3A_442 : vector<16xf32>
          %select_n3A_450 = arith.select %gt3A_449, %get3A_448, %select_n3A_442 : vector<16xi1>, vector<16xf32>
          %broadcast_in_dim3A_451 = arith.constant 10 : i32
          %broadcast_in_dim3A_452 = vector.broadcast %broadcast_in_dim3A_451 : i32 to vector<16xi32>
          %select_n3A_453 = arith.select %gt3A_449, %broadcast_in_dim3A_452, %select_n3A_445 : vector<16xi1>, vector<16xi32>
          %get3A_454 = arith.index_cast %add3A_369 : i32 to index
          %get3A_455 = arith.constant 48 : index
          %get3A_456 = tpu.vector_load %arg6[%get3A_454, %get3A_455] {strides = array<i32>} : memref<64x128xf32, #tpu.memory_space<vmem>>, vector<16xf32>,
          %gt3A_457 = arith.cmpf ogt, %get3A_456, %select_n3A_450 : vector<16xf32>
          %select_n3A_458 = arith.select %gt3A_457, %get3A_456, %select_n3A_450 : vector<16xi1>, vector<16xf32>
          %broadcast_in_dim3A_459 = arith.constant 11 : i32
          %broadcast_in_dim3A_460 = vector.broadcast %broadcast_in_dim3A_459 : i32 to vector<16xi32>
          %select_n3A_461 = arith.select %gt3A_457, %broadcast_in_dim3A_460, %select_n3A_453 : vector<16xi1>, vector<16xi32>
          %get3A_462 = arith.index_cast %add3A_369 : i32 to index
          %get3A_463 = arith.constant 64 : index
          %get3A_464 = tpu.vector_load %arg6[%get3A_462, %get3A_463] {strides = array<i32>} : memref<64x128xf32, #tpu.memory_space<vmem>>, vector<16xf32>,
          %gt3A_465 = arith.cmpf ogt, %get3A_464, %select_n3A_458 : vector<16xf32>
          %select_n3A_466 = arith.select %gt3A_465, %get3A_464, %select_n3A_458 : vector<16xi1>, vector<16xf32>
          %broadcast_in_dim3A_467 = arith.constant 12 : i32
          %broadcast_in_dim3A_468 = vector.broadcast %broadcast_in_dim3A_467 : i32 to vector<16xi32>
          %select_n3A_469 = arith.select %gt3A_465, %broadcast_in_dim3A_468, %select_n3A_461 : vector<16xi1>, vector<16xi32>
          %get3A_470 = arith.index_cast %add3A_369 : i32 to index
          %get3A_471 = arith.constant 80 : index
          %get3A_472 = tpu.vector_load %arg6[%get3A_470, %get3A_471] {strides = array<i32>} : memref<64x128xf32, #tpu.memory_space<vmem>>, vector<16xf32>,
          %gt3A_473 = arith.cmpf ogt, %get3A_472, %select_n3A_466 : vector<16xf32>
          %select_n3A_474 = arith.select %gt3A_473, %get3A_472, %select_n3A_466 : vector<16xi1>, vector<16xf32>
          %broadcast_in_dim3A_475 = arith.constant 13 : i32
          %broadcast_in_dim3A_476 = vector.broadcast %broadcast_in_dim3A_475 : i32 to vector<16xi32>
          %select_n3A_477 = arith.select %gt3A_473, %broadcast_in_dim3A_476, %select_n3A_469 : vector<16xi1>, vector<16xi32>
          %get3A_478 = arith.index_cast %add3A_369 : i32 to index
          %get3A_479 = arith.constant 96 : index
          %get3A_480 = tpu.vector_load %arg6[%get3A_478, %get3A_479] {strides = array<i32>} : memref<64x128xf32, #tpu.memory_space<vmem>>, vector<16xf32>,
          %gt3A_481 = arith.cmpf ogt, %get3A_480, %select_n3A_474 : vector<16xf32>
          %select_n3A_482 = arith.select %gt3A_481, %get3A_480, %select_n3A_474 : vector<16xi1>, vector<16xf32>
          %broadcast_in_dim3A_483 = arith.constant 14 : i32
          %broadcast_in_dim3A_484 = vector.broadcast %broadcast_in_dim3A_483 : i32 to vector<16xi32>
          %select_n3A_485 = arith.select %gt3A_481, %broadcast_in_dim3A_484, %select_n3A_477 : vector<16xi1>, vector<16xi32>
          %get3A_486 = arith.index_cast %add3A_369 : i32 to index
          %get3A_487 = arith.constant 112 : index
          %get3A_488 = tpu.vector_load %arg6[%get3A_486, %get3A_487] {strides = array<i32>} : memref<64x128xf32, #tpu.memory_space<vmem>>, vector<16xf32>,
          %gt3A_489 = arith.cmpf ogt, %get3A_488, %select_n3A_482 : vector<16xf32>
          %select_n3A_490 = arith.select %gt3A_489, %get3A_488, %select_n3A_482 : vector<16xi1>, vector<16xf32>
          %broadcast_in_dim3A_491 = arith.constant 15 : i32
          %broadcast_in_dim3A_492 = vector.broadcast %broadcast_in_dim3A_491 : i32 to vector<16xi32>
          %select_n3A_493 = arith.select %gt3A_489, %broadcast_in_dim3A_492, %select_n3A_485 : vector<16xi1>, vector<16xi32>
          %get3A_494 = arith.index_cast %add3A_369 : i32 to index
          %get3A_495 = arith.constant 0 : index
          %get3A_496 = tpu.vector_load %arg7[%get3A_494, %get3A_495] {strides = array<i32>} : memref<64x128xf32, #tpu.memory_space<vmem>>, vector<16xf32>,
          %gt3A_497 = arith.cmpf ogt, %get3A_496, %select_n3A_490 : vector<16xf32>
          %select_n3A_498 = arith.select %gt3A_497, %get3A_496, %select_n3A_490 : vector<16xi1>, vector<16xf32>
          %broadcast_in_dim3A_499 = arith.constant 16 : i32
          %broadcast_in_dim3A_500 = vector.broadcast %broadcast_in_dim3A_499 : i32 to vector<16xi32>
          %select_n3A_501 = arith.select %gt3A_497, %broadcast_in_dim3A_500, %select_n3A_493 : vector<16xi1>, vector<16xi32>
          %get3A_502 = arith.index_cast %add3A_369 : i32 to index
          %get3A_503 = arith.constant 16 : index
          %get3A_504 = tpu.vector_load %arg7[%get3A_502, %get3A_503] {strides = array<i32>} : memref<64x128xf32, #tpu.memory_space<vmem>>, vector<16xf32>,
          %gt3A_505 = arith.cmpf ogt, %get3A_504, %select_n3A_498 : vector<16xf32>
          %select_n3A_506 = arith.select %gt3A_505, %get3A_504, %select_n3A_498 : vector<16xi1>, vector<16xf32>
          %broadcast_in_dim3A_507 = arith.constant 17 : i32
          %broadcast_in_dim3A_508 = vector.broadcast %broadcast_in_dim3A_507 : i32 to vector<16xi32>
          %select_n3A_509 = arith.select %gt3A_505, %broadcast_in_dim3A_508, %select_n3A_501 : vector<16xi1>, vector<16xi32>
          %get3A_510 = arith.index_cast %add3A_369 : i32 to index
          %get3A_511 = arith.constant 32 : index
          %get3A_512 = tpu.vector_load %arg7[%get3A_510, %get3A_511] {strides = array<i32>} : memref<64x128xf32, #tpu.memory_space<vmem>>, vector<16xf32>,
          %gt3A_513 = arith.cmpf ogt, %get3A_512, %select_n3A_506 : vector<16xf32>
          %select_n3A_514 = arith.select %gt3A_513, %get3A_512, %select_n3A_506 : vector<16xi1>, vector<16xf32>
          %broadcast_in_dim3A_515 = arith.constant 18 : i32
          %broadcast_in_dim3A_516 = vector.broadcast %broadcast_in_dim3A_515 : i32 to vector<16xi32>
          %select_n3A_517 = arith.select %gt3A_513, %broadcast_in_dim3A_516, %select_n3A_509 : vector<16xi1>, vector<16xi32>
          %get3A_518 = arith.index_cast %add3A_369 : i32 to index
          %get3A_519 = arith.constant 48 : index
          %get3A_520 = tpu.vector_load %arg7[%get3A_518, %get3A_519] {strides = array<i32>} : memref<64x128xf32, #tpu.memory_space<vmem>>, vector<16xf32>,
          %gt3A_521 = arith.cmpf ogt, %get3A_520, %select_n3A_514 : vector<16xf32>
          %select_n3A_522 = arith.select %gt3A_521, %get3A_520, %select_n3A_514 : vector<16xi1>, vector<16xf32>
          %broadcast_in_dim3A_523 = arith.constant 19 : i32
          %broadcast_in_dim3A_524 = vector.broadcast %broadcast_in_dim3A_523 : i32 to vector<16xi32>
          %select_n3A_525 = arith.select %gt3A_521, %broadcast_in_dim3A_524, %select_n3A_517 : vector<16xi1>, vector<16xi32>
          %get3A_526 = arith.index_cast %add3A_369 : i32 to index
          %get3A_527 = arith.constant 64 : index
          %get3A_528 = tpu.vector_load %arg7[%get3A_526, %get3A_527] {strides = array<i32>} : memref<64x128xf32, #tpu.memory_space<vmem>>, vector<16xf32>,
          %gt3A_529 = arith.cmpf ogt, %get3A_528, %select_n3A_522 : vector<16xf32>
          %select_n3A_530 = arith.select %gt3A_529, %get3A_528, %select_n3A_522 : vector<16xi1>, vector<16xf32>
          %broadcast_in_dim3A_531 = arith.constant 20 : i32
          %broadcast_in_dim3A_532 = vector.broadcast %broadcast_in_dim3A_531 : i32 to vector<16xi32>
          %select_n3A_533 = arith.select %gt3A_529, %broadcast_in_dim3A_532, %select_n3A_525 : vector<16xi1>, vector<16xi32>
          %get3A_534 = arith.index_cast %add3A_369 : i32 to index
          %get3A_535 = arith.constant 80 : index
          %get3A_536 = tpu.vector_load %arg7[%get3A_534, %get3A_535] {strides = array<i32>} : memref<64x128xf32, #tpu.memory_space<vmem>>, vector<16xf32>,
          %gt3A_537 = arith.cmpf ogt, %get3A_536, %select_n3A_530 : vector<16xf32>
          %select_n3A_538 = arith.select %gt3A_537, %get3A_536, %select_n3A_530 : vector<16xi1>, vector<16xf32>
          %broadcast_in_dim3A_539 = arith.constant 21 : i32
          %broadcast_in_dim3A_540 = vector.broadcast %broadcast_in_dim3A_539 : i32 to vector<16xi32>
          %select_n3A_541 = arith.select %gt3A_537, %broadcast_in_dim3A_540, %select_n3A_533 : vector<16xi1>, vector<16xi32>
          %get3A_542 = arith.index_cast %add3A_369 : i32 to index
          %get3A_543 = arith.constant 96 : index
          %get3A_544 = tpu.vector_load %arg7[%get3A_542, %get3A_543] {strides = array<i32>} : memref<64x128xf32, #tpu.memory_space<vmem>>, vector<16xf32>,
          %gt3A_545 = arith.cmpf ogt, %get3A_544, %select_n3A_538 : vector<16xf32>
          %select_n3A_546 = arith.select %gt3A_545, %get3A_544, %select_n3A_538 : vector<16xi1>, vector<16xf32>
          %broadcast_in_dim3A_547 = arith.constant 22 : i32
          %broadcast_in_dim3A_548 = vector.broadcast %broadcast_in_dim3A_547 : i32 to vector<16xi32>
          %select_n3A_549 = arith.select %gt3A_545, %broadcast_in_dim3A_548, %select_n3A_541 : vector<16xi1>, vector<16xi32>
          %get3A_550 = arith.index_cast %add3A_369 : i32 to index
          %get3A_551 = arith.constant 112 : index
          %get3A_552 = tpu.vector_load %arg7[%get3A_550, %get3A_551] {strides = array<i32>} : memref<64x128xf32, #tpu.memory_space<vmem>>, vector<16xf32>,
          %gt3A_553 = arith.cmpf ogt, %get3A_552, %select_n3A_546 : vector<16xf32>
          %select_n3A_554 = arith.select %gt3A_553, %get3A_552, %select_n3A_546 : vector<16xi1>, vector<16xf32>
          %broadcast_in_dim3A_555 = arith.constant 23 : i32
          %broadcast_in_dim3A_556 = vector.broadcast %broadcast_in_dim3A_555 : i32 to vector<16xi32>
          %select_n3A_557 = arith.select %gt3A_553, %broadcast_in_dim3A_556, %select_n3A_549 : vector<16xi1>, vector<16xi32>
          %get3A_558 = arith.index_cast %add3A_369 : i32 to index
          %get3A_559 = arith.constant 0 : index
          %get3A_560 = tpu.vector_load %arg8[%get3A_558, %get3A_559] {strides = array<i32>} : memref<64x128xf32, #tpu.memory_space<vmem>>, vector<16xf32>,
          %gt3A_561 = arith.cmpf ogt, %get3A_560, %select_n3A_554 : vector<16xf32>
          %select_n3A_562 = arith.select %gt3A_561, %get3A_560, %select_n3A_554 : vector<16xi1>, vector<16xf32>
          %broadcast_in_dim3A_563 = arith.constant 24 : i32
          %broadcast_in_dim3A_564 = vector.broadcast %broadcast_in_dim3A_563 : i32 to vector<16xi32>
          %select_n3A_565 = arith.select %gt3A_561, %broadcast_in_dim3A_564, %select_n3A_557 : vector<16xi1>, vector<16xi32>
          %get3A_566 = arith.index_cast %add3A_369 : i32 to index
          %get3A_567 = arith.constant 16 : index
          %get3A_568 = tpu.vector_load %arg8[%get3A_566, %get3A_567] {strides = array<i32>} : memref<64x128xf32, #tpu.memory_space<vmem>>, vector<16xf32>,
          %gt3A_569 = arith.cmpf ogt, %get3A_568, %select_n3A_562 : vector<16xf32>
          %select_n3A_570 = arith.select %gt3A_569, %get3A_568, %select_n3A_562 : vector<16xi1>, vector<16xf32>
          %broadcast_in_dim3A_571 = arith.constant 25 : i32
          %broadcast_in_dim3A_572 = vector.broadcast %broadcast_in_dim3A_571 : i32 to vector<16xi32>
          %select_n3A_573 = arith.select %gt3A_569, %broadcast_in_dim3A_572, %select_n3A_565 : vector<16xi1>, vector<16xi32>
          %get3A_574 = arith.index_cast %add3A_369 : i32 to index
          %get3A_575 = arith.constant 32 : index
          %get3A_576 = tpu.vector_load %arg8[%get3A_574, %get3A_575] {strides = array<i32>} : memref<64x128xf32, #tpu.memory_space<vmem>>, vector<16xf32>,
          %gt3A_577 = arith.cmpf ogt, %get3A_576, %select_n3A_570 : vector<16xf32>
          %select_n3A_578 = arith.select %gt3A_577, %get3A_576, %select_n3A_570 : vector<16xi1>, vector<16xf32>
          %broadcast_in_dim3A_579 = arith.constant 26 : i32
          %broadcast_in_dim3A_580 = vector.broadcast %broadcast_in_dim3A_579 : i32 to vector<16xi32>
          %select_n3A_581 = arith.select %gt3A_577, %broadcast_in_dim3A_580, %select_n3A_573 : vector<16xi1>, vector<16xi32>
          %get3A_582 = arith.index_cast %add3A_369 : i32 to index
          %get3A_583 = arith.constant 48 : index
          %get3A_584 = tpu.vector_load %arg8[%get3A_582, %get3A_583] {strides = array<i32>} : memref<64x128xf32, #tpu.memory_space<vmem>>, vector<16xf32>,
          %gt3A_585 = arith.cmpf ogt, %get3A_584, %select_n3A_578 : vector<16xf32>
          %select_n3A_586 = arith.select %gt3A_585, %get3A_584, %select_n3A_578 : vector<16xi1>, vector<16xf32>
          %broadcast_in_dim3A_587 = arith.constant 27 : i32
          %broadcast_in_dim3A_588 = vector.broadcast %broadcast_in_dim3A_587 : i32 to vector<16xi32>
          %select_n3A_589 = arith.select %gt3A_585, %broadcast_in_dim3A_588, %select_n3A_581 : vector<16xi1>, vector<16xi32>
          %get3A_590 = arith.index_cast %add3A_369 : i32 to index
          %get3A_591 = arith.constant 64 : index
          %get3A_592 = tpu.vector_load %arg8[%get3A_590, %get3A_591] {strides = array<i32>} : memref<64x128xf32, #tpu.memory_space<vmem>>, vector<16xf32>,
          %gt3A_593 = arith.cmpf ogt, %get3A_592, %select_n3A_586 : vector<16xf32>
          %select_n3A_594 = arith.select %gt3A_593, %get3A_592, %select_n3A_586 : vector<16xi1>, vector<16xf32>
          %broadcast_in_dim3A_595 = arith.constant 28 : i32
          %broadcast_in_dim3A_596 = vector.broadcast %broadcast_in_dim3A_595 : i32 to vector<16xi32>
          %select_n3A_597 = arith.select %gt3A_593, %broadcast_in_dim3A_596, %select_n3A_589 : vector<16xi1>, vector<16xi32>
          %get3A_598 = arith.index_cast %add3A_369 : i32 to index
          %get3A_599 = arith.constant 80 : index
          %get3A_600 = tpu.vector_load %arg8[%get3A_598, %get3A_599] {strides = array<i32>} : memref<64x128xf32, #tpu.memory_space<vmem>>, vector<16xf32>,
          %gt3A_601 = arith.cmpf ogt, %get3A_600, %select_n3A_594 : vector<16xf32>
          %select_n3A_602 = arith.select %gt3A_601, %get3A_600, %select_n3A_594 : vector<16xi1>, vector<16xf32>
          %broadcast_in_dim3A_603 = arith.constant 29 : i32
          %broadcast_in_dim3A_604 = vector.broadcast %broadcast_in_dim3A_603 : i32 to vector<16xi32>
          %select_n3A_605 = arith.select %gt3A_601, %broadcast_in_dim3A_604, %select_n3A_597 : vector<16xi1>, vector<16xi32>
          %get3A_606 = arith.index_cast %add3A_369 : i32 to index
          %get3A_607 = arith.constant 96 : index
          %get3A_608 = tpu.vector_load %arg8[%get3A_606, %get3A_607] {strides = array<i32>} : memref<64x128xf32, #tpu.memory_space<vmem>>, vector<16xf32>,
          %gt3A_609 = arith.cmpf ogt, %get3A_608, %select_n3A_602 : vector<16xf32>
          %select_n3A_610 = arith.select %gt3A_609, %get3A_608, %select_n3A_602 : vector<16xi1>, vector<16xf32>
          %broadcast_in_dim3A_611 = arith.constant 30 : i32
          %broadcast_in_dim3A_612 = vector.broadcast %broadcast_in_dim3A_611 : i32 to vector<16xi32>
          %select_n3A_613 = arith.select %gt3A_609, %broadcast_in_dim3A_612, %select_n3A_605 : vector<16xi1>, vector<16xi32>
          %get3A_614 = arith.index_cast %add3A_369 : i32 to index
          %get3A_615 = arith.constant 112 : index
          %get3A_616 = tpu.vector_load %arg8[%get3A_614, %get3A_615] {strides = array<i32>} : memref<64x128xf32, #tpu.memory_space<vmem>>, vector<16xf32>,
          %gt3A_617 = arith.cmpf ogt, %get3A_616, %select_n3A_610 : vector<16xf32>
          %select_n3A_618 = arith.select %gt3A_617, %get3A_616, %select_n3A_610 : vector<16xi1>, vector<16xf32>
          %broadcast_in_dim3A_619 = arith.constant 31 : i32
          %broadcast_in_dim3A_620 = vector.broadcast %broadcast_in_dim3A_619 : i32 to vector<16xi32>
          %select_n3A_621 = arith.select %gt3A_617, %broadcast_in_dim3A_620, %select_n3A_613 : vector<16xi1>, vector<16xi32>
          %broadcast_in_dim3A_622 = vector.broadcast %add3A_366 : i32 to vector<16xi32>
          tpu.vector_store_idx %arg9[%iota3A, %broadcast_in_dim3A_622], %select_n3A_618 : memref<16x16xf32, #tpu.memory_space<vmem>>[vector<16xi32>, vector<16xi32>], vector<16xf32>,
          tpu.vector_store_idx %arg10[%iota3A, %broadcast_in_dim3A_622], %select_n3A_621 : memref<16x16xi32, #tpu.memory_space<vmem>>[vector<16xi32>, vector<16xi32>], vector<16xi32>,
        }
        %scan3A_34 = arith.constant 16 : i32
        %get3A = arith.constant 0 : i32
        %get3A_35 = arith.index_cast %get3A : i32 to index
        %get3A_36 = arith.constant 0 : index
        %get3A_37 = tpu.vector_load %arg9[%get3A_35, %get3A_36] {strides = array<i32>} : memref<16x16xf32, #tpu.memory_space<vmem>>, vector<16xf32>,
        %get3A_38 = arith.constant 0 : i32
        %get3A_39 = arith.index_cast %get3A_38 : i32 to index
        %get3A_40 = arith.constant 0 : index
        %get3A_41 = tpu.vector_load %arg10[%get3A_39, %get3A_40] {strides = array<i32>} : memref<16x16xi32, #tpu.memory_space<vmem>>, vector<16xi32>,
        %mul3A_42 = arith.constant 16 : i32
        %mul3A_43 = vector.broadcast %mul3A_42 : i32 to vector<16xi32>
        %mul3A_44 = arith.muli %get3A_41, %mul3A_43 : vector<16xi32>
        %get3A_45 = arith.constant 1 : i32
        %get3A_46 = arith.index_cast %get3A_45 : i32 to index
        %get3A_47 = arith.constant 0 : index
        %get3A_48 = tpu.vector_load %arg9[%get3A_46, %get3A_47] {strides = array<i32>} : memref<16x16xf32, #tpu.memory_space<vmem>>, vector<16xf32>,
        %get3A_49 = arith.constant 1 : i32
        %get3A_50 = arith.index_cast %get3A_49 : i32 to index
        %get3A_51 = arith.constant 0 : index
        %get3A_52 = tpu.vector_load %arg10[%get3A_50, %get3A_51] {strides = array<i32>} : memref<16x16xi32, #tpu.memory_space<vmem>>, vector<16xi32>,
        %mul3A_53 = arith.constant 16 : i32
        %mul3A_54 = vector.broadcast %mul3A_53 : i32 to vector<16xi32>
        %mul3A_55 = arith.muli %get3A_52, %mul3A_54 : vector<16xi32>
        %add3A_56 = arith.constant 1 : i32
        %add3A_57 = vector.broadcast %add3A_56 : i32 to vector<16xi32>
        %add3A_58 = arith.addi %mul3A_55, %add3A_57 : vector<16xi32>
        %gt3A = arith.cmpf ogt, %get3A_48, %get3A_37 : vector<16xf32>
        %eq3A = arith.cmpf oeq, %get3A_48, %get3A_37 : vector<16xf32>
        %lt3A = arith.cmpi slt, %add3A_58, %mul3A_44 : vector<16xi32>
        %and3A = arith.andi %eq3A, %lt3A : vector<16xi1>
        %or3A = arith.ori %gt3A, %and3A : vector<16xi1>
        %select_n3A = arith.select %or3A, %get3A_48, %get3A_37 : vector<16xi1>, vector<16xf32>
        %select_n3A_59 = arith.select %or3A, %add3A_58, %mul3A_44 : vector<16xi1>, vector<16xi32>
        %get3A_60 = arith.constant 2 : i32
        %get3A_61 = arith.index_cast %get3A_60 : i32 to index
        %get3A_62 = arith.constant 0 : index
        %get3A_63 = tpu.vector_load %arg9[%get3A_61, %get3A_62] {strides = array<i32>} : memref<16x16xf32, #tpu.memory_space<vmem>>, vector<16xf32>,
        %get3A_64 = arith.constant 2 : i32
        %get3A_65 = arith.index_cast %get3A_64 : i32 to index
        %get3A_66 = arith.constant 0 : index
        %get3A_67 = tpu.vector_load %arg10[%get3A_65, %get3A_66] {strides = array<i32>} : memref<16x16xi32, #tpu.memory_space<vmem>>, vector<16xi32>,
        %mul3A_68 = arith.constant 16 : i32
        %mul3A_69 = vector.broadcast %mul3A_68 : i32 to vector<16xi32>
        %mul3A_70 = arith.muli %get3A_67, %mul3A_69 : vector<16xi32>
        %add3A_71 = arith.constant 2 : i32
        %add3A_72 = vector.broadcast %add3A_71 : i32 to vector<16xi32>
        %add3A_73 = arith.addi %mul3A_70, %add3A_72 : vector<16xi32>
        %gt3A_74 = arith.cmpf ogt, %get3A_63, %select_n3A : vector<16xf32>
        %eq3A_75 = arith.cmpf oeq, %get3A_63, %select_n3A : vector<16xf32>
        %lt3A_76 = arith.cmpi slt, %add3A_73, %select_n3A_59 : vector<16xi32>
        %and3A_77 = arith.andi %eq3A_75, %lt3A_76 : vector<16xi1>
        %or3A_78 = arith.ori %gt3A_74, %and3A_77 : vector<16xi1>
        %select_n3A_79 = arith.select %or3A_78, %get3A_63, %select_n3A : vector<16xi1>, vector<16xf32>
        %select_n3A_80 = arith.select %or3A_78, %add3A_73, %select_n3A_59 : vector<16xi1>, vector<16xi32>
        %get3A_81 = arith.constant 3 : i32
        %get3A_82 = arith.index_cast %get3A_81 : i32 to index
        %get3A_83 = arith.constant 0 : index
        %get3A_84 = tpu.vector_load %arg9[%get3A_82, %get3A_83] {strides = array<i32>} : memref<16x16xf32, #tpu.memory_space<vmem>>, vector<16xf32>,
        %get3A_85 = arith.constant 3 : i32
        %get3A_86 = arith.index_cast %get3A_85 : i32 to index
        %get3A_87 = arith.constant 0 : index
        %get3A_88 = tpu.vector_load %arg10[%get3A_86, %get3A_87] {strides = array<i32>} : memref<16x16xi32, #tpu.memory_space<vmem>>, vector<16xi32>,
        %mul3A_89 = arith.constant 16 : i32
        %mul3A_90 = vector.broadcast %mul3A_89 : i32 to vector<16xi32>
        %mul3A_91 = arith.muli %get3A_88, %mul3A_90 : vector<16xi32>
        %add3A_92 = arith.constant 3 : i32
        %add3A_93 = vector.broadcast %add3A_92 : i32 to vector<16xi32>
        %add3A_94 = arith.addi %mul3A_91, %add3A_93 : vector<16xi32>
        %gt3A_95 = arith.cmpf ogt, %get3A_84, %select_n3A_79 : vector<16xf32>
        %eq3A_96 = arith.cmpf oeq, %get3A_84, %select_n3A_79 : vector<16xf32>
        %lt3A_97 = arith.cmpi slt, %add3A_94, %select_n3A_80 : vector<16xi32>
        %and3A_98 = arith.andi %eq3A_96, %lt3A_97 : vector<16xi1>
        %or3A_99 = arith.ori %gt3A_95, %and3A_98 : vector<16xi1>
        %select_n3A_100 = arith.select %or3A_99, %get3A_84, %select_n3A_79 : vector<16xi1>, vector<16xf32>
        %select_n3A_101 = arith.select %or3A_99, %add3A_94, %select_n3A_80 : vector<16xi1>, vector<16xi32>
        %get3A_102 = arith.constant 4 : i32
        %get3A_103 = arith.index_cast %get3A_102 : i32 to index
        %get3A_104 = arith.constant 0 : index
        %get3A_105 = tpu.vector_load %arg9[%get3A_103, %get3A_104] {strides = array<i32>} : memref<16x16xf32, #tpu.memory_space<vmem>>, vector<16xf32>,
        %get3A_106 = arith.constant 4 : i32
        %get3A_107 = arith.index_cast %get3A_106 : i32 to index
        %get3A_108 = arith.constant 0 : index
        %get3A_109 = tpu.vector_load %arg10[%get3A_107, %get3A_108] {strides = array<i32>} : memref<16x16xi32, #tpu.memory_space<vmem>>, vector<16xi32>,
        %mul3A_110 = arith.constant 16 : i32
        %mul3A_111 = vector.broadcast %mul3A_110 : i32 to vector<16xi32>
        %mul3A_112 = arith.muli %get3A_109, %mul3A_111 : vector<16xi32>
        %add3A_113 = arith.constant 4 : i32
        %add3A_114 = vector.broadcast %add3A_113 : i32 to vector<16xi32>
        %add3A_115 = arith.addi %mul3A_112, %add3A_114 : vector<16xi32>
        %gt3A_116 = arith.cmpf ogt, %get3A_105, %select_n3A_100 : vector<16xf32>
        %eq3A_117 = arith.cmpf oeq, %get3A_105, %select_n3A_100 : vector<16xf32>
        %lt3A_118 = arith.cmpi slt, %add3A_115, %select_n3A_101 : vector<16xi32>
        %and3A_119 = arith.andi %eq3A_117, %lt3A_118 : vector<16xi1>
        %or3A_120 = arith.ori %gt3A_116, %and3A_119 : vector<16xi1>
        %select_n3A_121 = arith.select %or3A_120, %get3A_105, %select_n3A_100 : vector<16xi1>, vector<16xf32>
        %select_n3A_122 = arith.select %or3A_120, %add3A_115, %select_n3A_101 : vector<16xi1>, vector<16xi32>
        %get3A_123 = arith.constant 5 : i32
        %get3A_124 = arith.index_cast %get3A_123 : i32 to index
        %get3A_125 = arith.constant 0 : index
        %get3A_126 = tpu.vector_load %arg9[%get3A_124, %get3A_125] {strides = array<i32>} : memref<16x16xf32, #tpu.memory_space<vmem>>, vector<16xf32>,
        %get3A_127 = arith.constant 5 : i32
        %get3A_128 = arith.index_cast %get3A_127 : i32 to index
        %get3A_129 = arith.constant 0 : index
        %get3A_130 = tpu.vector_load %arg10[%get3A_128, %get3A_129] {strides = array<i32>} : memref<16x16xi32, #tpu.memory_space<vmem>>, vector<16xi32>,
        %mul3A_131 = arith.constant 16 : i32
        %mul3A_132 = vector.broadcast %mul3A_131 : i32 to vector<16xi32>
        %mul3A_133 = arith.muli %get3A_130, %mul3A_132 : vector<16xi32>
        %add3A_134 = arith.constant 5 : i32
        %add3A_135 = vector.broadcast %add3A_134 : i32 to vector<16xi32>
        %add3A_136 = arith.addi %mul3A_133, %add3A_135 : vector<16xi32>
        %gt3A_137 = arith.cmpf ogt, %get3A_126, %select_n3A_121 : vector<16xf32>
        %eq3A_138 = arith.cmpf oeq, %get3A_126, %select_n3A_121 : vector<16xf32>
        %lt3A_139 = arith.cmpi slt, %add3A_136, %select_n3A_122 : vector<16xi32>
        %and3A_140 = arith.andi %eq3A_138, %lt3A_139 : vector<16xi1>
        %or3A_141 = arith.ori %gt3A_137, %and3A_140 : vector<16xi1>
        %select_n3A_142 = arith.select %or3A_141, %get3A_126, %select_n3A_121 : vector<16xi1>, vector<16xf32>
        %select_n3A_143 = arith.select %or3A_141, %add3A_136, %select_n3A_122 : vector<16xi1>, vector<16xi32>
        %get3A_144 = arith.constant 6 : i32
        %get3A_145 = arith.index_cast %get3A_144 : i32 to index
        %get3A_146 = arith.constant 0 : index
        %get3A_147 = tpu.vector_load %arg9[%get3A_145, %get3A_146] {strides = array<i32>} : memref<16x16xf32, #tpu.memory_space<vmem>>, vector<16xf32>,
        %get3A_148 = arith.constant 6 : i32
        %get3A_149 = arith.index_cast %get3A_148 : i32 to index
        %get3A_150 = arith.constant 0 : index
        %get3A_151 = tpu.vector_load %arg10[%get3A_149, %get3A_150] {strides = array<i32>} : memref<16x16xi32, #tpu.memory_space<vmem>>, vector<16xi32>,
        %mul3A_152 = arith.constant 16 : i32
        %mul3A_153 = vector.broadcast %mul3A_152 : i32 to vector<16xi32>
        %mul3A_154 = arith.muli %get3A_151, %mul3A_153 : vector<16xi32>
        %add3A_155 = arith.constant 6 : i32
        %add3A_156 = vector.broadcast %add3A_155 : i32 to vector<16xi32>
        %add3A_157 = arith.addi %mul3A_154, %add3A_156 : vector<16xi32>
        %gt3A_158 = arith.cmpf ogt, %get3A_147, %select_n3A_142 : vector<16xf32>
        %eq3A_159 = arith.cmpf oeq, %get3A_147, %select_n3A_142 : vector<16xf32>
        %lt3A_160 = arith.cmpi slt, %add3A_157, %select_n3A_143 : vector<16xi32>
        %and3A_161 = arith.andi %eq3A_159, %lt3A_160 : vector<16xi1>
        %or3A_162 = arith.ori %gt3A_158, %and3A_161 : vector<16xi1>
        %select_n3A_163 = arith.select %or3A_162, %get3A_147, %select_n3A_142 : vector<16xi1>, vector<16xf32>
        %select_n3A_164 = arith.select %or3A_162, %add3A_157, %select_n3A_143 : vector<16xi1>, vector<16xi32>
        %get3A_165 = arith.constant 7 : i32
        %get3A_166 = arith.index_cast %get3A_165 : i32 to index
        %get3A_167 = arith.constant 0 : index
        %get3A_168 = tpu.vector_load %arg9[%get3A_166, %get3A_167] {strides = array<i32>} : memref<16x16xf32, #tpu.memory_space<vmem>>, vector<16xf32>,
        %get3A_169 = arith.constant 7 : i32
        %get3A_170 = arith.index_cast %get3A_169 : i32 to index
        %get3A_171 = arith.constant 0 : index
        %get3A_172 = tpu.vector_load %arg10[%get3A_170, %get3A_171] {strides = array<i32>} : memref<16x16xi32, #tpu.memory_space<vmem>>, vector<16xi32>,
        %mul3A_173 = arith.constant 16 : i32
        %mul3A_174 = vector.broadcast %mul3A_173 : i32 to vector<16xi32>
        %mul3A_175 = arith.muli %get3A_172, %mul3A_174 : vector<16xi32>
        %add3A_176 = arith.constant 7 : i32
        %add3A_177 = vector.broadcast %add3A_176 : i32 to vector<16xi32>
        %add3A_178 = arith.addi %mul3A_175, %add3A_177 : vector<16xi32>
        %gt3A_179 = arith.cmpf ogt, %get3A_168, %select_n3A_163 : vector<16xf32>
        %eq3A_180 = arith.cmpf oeq, %get3A_168, %select_n3A_163 : vector<16xf32>
        %lt3A_181 = arith.cmpi slt, %add3A_178, %select_n3A_164 : vector<16xi32>
        %and3A_182 = arith.andi %eq3A_180, %lt3A_181 : vector<16xi1>
        %or3A_183 = arith.ori %gt3A_179, %and3A_182 : vector<16xi1>
        %select_n3A_184 = arith.select %or3A_183, %get3A_168, %select_n3A_163 : vector<16xi1>, vector<16xf32>
        %select_n3A_185 = arith.select %or3A_183, %add3A_178, %select_n3A_164 : vector<16xi1>, vector<16xi32>
        %get3A_186 = arith.constant 8 : i32
        %get3A_187 = arith.index_cast %get3A_186 : i32 to index
        %get3A_188 = arith.constant 0 : index
        %get3A_189 = tpu.vector_load %arg9[%get3A_187, %get3A_188] {strides = array<i32>} : memref<16x16xf32, #tpu.memory_space<vmem>>, vector<16xf32>,
        %get3A_190 = arith.constant 8 : i32
        %get3A_191 = arith.index_cast %get3A_190 : i32 to index
        %get3A_192 = arith.constant 0 : index
        %get3A_193 = tpu.vector_load %arg10[%get3A_191, %get3A_192] {strides = array<i32>} : memref<16x16xi32, #tpu.memory_space<vmem>>, vector<16xi32>,
        %mul3A_194 = arith.constant 16 : i32
        %mul3A_195 = vector.broadcast %mul3A_194 : i32 to vector<16xi32>
        %mul3A_196 = arith.muli %get3A_193, %mul3A_195 : vector<16xi32>
        %add3A_197 = arith.constant 8 : i32
        %add3A_198 = vector.broadcast %add3A_197 : i32 to vector<16xi32>
        %add3A_199 = arith.addi %mul3A_196, %add3A_198 : vector<16xi32>
        %gt3A_200 = arith.cmpf ogt, %get3A_189, %select_n3A_184 : vector<16xf32>
        %eq3A_201 = arith.cmpf oeq, %get3A_189, %select_n3A_184 : vector<16xf32>
        %lt3A_202 = arith.cmpi slt, %add3A_199, %select_n3A_185 : vector<16xi32>
        %and3A_203 = arith.andi %eq3A_201, %lt3A_202 : vector<16xi1>
        %or3A_204 = arith.ori %gt3A_200, %and3A_203 : vector<16xi1>
        %select_n3A_205 = arith.select %or3A_204, %get3A_189, %select_n3A_184 : vector<16xi1>, vector<16xf32>
        %select_n3A_206 = arith.select %or3A_204, %add3A_199, %select_n3A_185 : vector<16xi1>, vector<16xi32>
        %get3A_207 = arith.constant 9 : i32
        %get3A_208 = arith.index_cast %get3A_207 : i32 to index
        %get3A_209 = arith.constant 0 : index
        %get3A_210 = tpu.vector_load %arg9[%get3A_208, %get3A_209] {strides = array<i32>} : memref<16x16xf32, #tpu.memory_space<vmem>>, vector<16xf32>,
        %get3A_211 = arith.constant 9 : i32
        %get3A_212 = arith.index_cast %get3A_211 : i32 to index
        %get3A_213 = arith.constant 0 : index
        %get3A_214 = tpu.vector_load %arg10[%get3A_212, %get3A_213] {strides = array<i32>} : memref<16x16xi32, #tpu.memory_space<vmem>>, vector<16xi32>,
        %mul3A_215 = arith.constant 16 : i32
        %mul3A_216 = vector.broadcast %mul3A_215 : i32 to vector<16xi32>
        %mul3A_217 = arith.muli %get3A_214, %mul3A_216 : vector<16xi32>
        %add3A_218 = arith.constant 9 : i32
        %add3A_219 = vector.broadcast %add3A_218 : i32 to vector<16xi32>
        %add3A_220 = arith.addi %mul3A_217, %add3A_219 : vector<16xi32>
        %gt3A_221 = arith.cmpf ogt, %get3A_210, %select_n3A_205 : vector<16xf32>
        %eq3A_222 = arith.cmpf oeq, %get3A_210, %select_n3A_205 : vector<16xf32>
        %lt3A_223 = arith.cmpi slt, %add3A_220, %select_n3A_206 : vector<16xi32>
        %and3A_224 = arith.andi %eq3A_222, %lt3A_223 : vector<16xi1>
        %or3A_225 = arith.ori %gt3A_221, %and3A_224 : vector<16xi1>
        %select_n3A_226 = arith.select %or3A_225, %get3A_210, %select_n3A_205 : vector<16xi1>, vector<16xf32>
        %select_n3A_227 = arith.select %or3A_225, %add3A_220, %select_n3A_206 : vector<16xi1>, vector<16xi32>
        %get3A_228 = arith.constant 10 : i32
        %get3A_229 = arith.index_cast %get3A_228 : i32 to index
        %get3A_230 = arith.constant 0 : index
        %get3A_231 = tpu.vector_load %arg9[%get3A_229, %get3A_230] {strides = array<i32>} : memref<16x16xf32, #tpu.memory_space<vmem>>, vector<16xf32>,
        %get3A_232 = arith.constant 10 : i32
        %get3A_233 = arith.index_cast %get3A_232 : i32 to index
        %get3A_234 = arith.constant 0 : index
        %get3A_235 = tpu.vector_load %arg10[%get3A_233, %get3A_234] {strides = array<i32>} : memref<16x16xi32, #tpu.memory_space<vmem>>, vector<16xi32>,
        %mul3A_236 = arith.constant 16 : i32
        %mul3A_237 = vector.broadcast %mul3A_236 : i32 to vector<16xi32>
        %mul3A_238 = arith.muli %get3A_235, %mul3A_237 : vector<16xi32>
        %add3A_239 = arith.constant 10 : i32
        %add3A_240 = vector.broadcast %add3A_239 : i32 to vector<16xi32>
        %add3A_241 = arith.addi %mul3A_238, %add3A_240 : vector<16xi32>
        %gt3A_242 = arith.cmpf ogt, %get3A_231, %select_n3A_226 : vector<16xf32>
        %eq3A_243 = arith.cmpf oeq, %get3A_231, %select_n3A_226 : vector<16xf32>
        %lt3A_244 = arith.cmpi slt, %add3A_241, %select_n3A_227 : vector<16xi32>
        %and3A_245 = arith.andi %eq3A_243, %lt3A_244 : vector<16xi1>
        %or3A_246 = arith.ori %gt3A_242, %and3A_245 : vector<16xi1>
        %select_n3A_247 = arith.select %or3A_246, %get3A_231, %select_n3A_226 : vector<16xi1>, vector<16xf32>
        %select_n3A_248 = arith.select %or3A_246, %add3A_241, %select_n3A_227 : vector<16xi1>, vector<16xi32>
        %get3A_249 = arith.constant 11 : i32
        %get3A_250 = arith.index_cast %get3A_249 : i32 to index
        %get3A_251 = arith.constant 0 : index
        %get3A_252 = tpu.vector_load %arg9[%get3A_250, %get3A_251] {strides = array<i32>} : memref<16x16xf32, #tpu.memory_space<vmem>>, vector<16xf32>,
        %get3A_253 = arith.constant 11 : i32
        %get3A_254 = arith.index_cast %get3A_253 : i32 to index
        %get3A_255 = arith.constant 0 : index
        %get3A_256 = tpu.vector_load %arg10[%get3A_254, %get3A_255] {strides = array<i32>} : memref<16x16xi32, #tpu.memory_space<vmem>>, vector<16xi32>,
        %mul3A_257 = arith.constant 16 : i32
        %mul3A_258 = vector.broadcast %mul3A_257 : i32 to vector<16xi32>
        %mul3A_259 = arith.muli %get3A_256, %mul3A_258 : vector<16xi32>
        %add3A_260 = arith.constant 11 : i32
        %add3A_261 = vector.broadcast %add3A_260 : i32 to vector<16xi32>
        %add3A_262 = arith.addi %mul3A_259, %add3A_261 : vector<16xi32>
        %gt3A_263 = arith.cmpf ogt, %get3A_252, %select_n3A_247 : vector<16xf32>
        %eq3A_264 = arith.cmpf oeq, %get3A_252, %select_n3A_247 : vector<16xf32>
        %lt3A_265 = arith.cmpi slt, %add3A_262, %select_n3A_248 : vector<16xi32>
        %and3A_266 = arith.andi %eq3A_264, %lt3A_265 : vector<16xi1>
        %or3A_267 = arith.ori %gt3A_263, %and3A_266 : vector<16xi1>
        %select_n3A_268 = arith.select %or3A_267, %get3A_252, %select_n3A_247 : vector<16xi1>, vector<16xf32>
        %select_n3A_269 = arith.select %or3A_267, %add3A_262, %select_n3A_248 : vector<16xi1>, vector<16xi32>
        %get3A_270 = arith.constant 12 : i32
        %get3A_271 = arith.index_cast %get3A_270 : i32 to index
        %get3A_272 = arith.constant 0 : index
        %get3A_273 = tpu.vector_load %arg9[%get3A_271, %get3A_272] {strides = array<i32>} : memref<16x16xf32, #tpu.memory_space<vmem>>, vector<16xf32>,
        %get3A_274 = arith.constant 12 : i32
        %get3A_275 = arith.index_cast %get3A_274 : i32 to index
        %get3A_276 = arith.constant 0 : index
        %get3A_277 = tpu.vector_load %arg10[%get3A_275, %get3A_276] {strides = array<i32>} : memref<16x16xi32, #tpu.memory_space<vmem>>, vector<16xi32>,
        %mul3A_278 = arith.constant 16 : i32
        %mul3A_279 = vector.broadcast %mul3A_278 : i32 to vector<16xi32>
        %mul3A_280 = arith.muli %get3A_277, %mul3A_279 : vector<16xi32>
        %add3A_281 = arith.constant 12 : i32
        %add3A_282 = vector.broadcast %add3A_281 : i32 to vector<16xi32>
        %add3A_283 = arith.addi %mul3A_280, %add3A_282 : vector<16xi32>
        %gt3A_284 = arith.cmpf ogt, %get3A_273, %select_n3A_268 : vector<16xf32>
        %eq3A_285 = arith.cmpf oeq, %get3A_273, %select_n3A_268 : vector<16xf32>
        %lt3A_286 = arith.cmpi slt, %add3A_283, %select_n3A_269 : vector<16xi32>
        %and3A_287 = arith.andi %eq3A_285, %lt3A_286 : vector<16xi1>
        %or3A_288 = arith.ori %gt3A_284, %and3A_287 : vector<16xi1>
        %select_n3A_289 = arith.select %or3A_288, %get3A_273, %select_n3A_268 : vector<16xi1>, vector<16xf32>
        %select_n3A_290 = arith.select %or3A_288, %add3A_283, %select_n3A_269 : vector<16xi1>, vector<16xi32>
        %get3A_291 = arith.constant 13 : i32
        %get3A_292 = arith.index_cast %get3A_291 : i32 to index
        %get3A_293 = arith.constant 0 : index
        %get3A_294 = tpu.vector_load %arg9[%get3A_292, %get3A_293] {strides = array<i32>} : memref<16x16xf32, #tpu.memory_space<vmem>>, vector<16xf32>,
        %get3A_295 = arith.constant 13 : i32
        %get3A_296 = arith.index_cast %get3A_295 : i32 to index
        %get3A_297 = arith.constant 0 : index
        %get3A_298 = tpu.vector_load %arg10[%get3A_296, %get3A_297] {strides = array<i32>} : memref<16x16xi32, #tpu.memory_space<vmem>>, vector<16xi32>,
        %mul3A_299 = arith.constant 16 : i32
        %mul3A_300 = vector.broadcast %mul3A_299 : i32 to vector<16xi32>
        %mul3A_301 = arith.muli %get3A_298, %mul3A_300 : vector<16xi32>
        %add3A_302 = arith.constant 13 : i32
        %add3A_303 = vector.broadcast %add3A_302 : i32 to vector<16xi32>
        %add3A_304 = arith.addi %mul3A_301, %add3A_303 : vector<16xi32>
        %gt3A_305 = arith.cmpf ogt, %get3A_294, %select_n3A_289 : vector<16xf32>
        %eq3A_306 = arith.cmpf oeq, %get3A_294, %select_n3A_289 : vector<16xf32>
        %lt3A_307 = arith.cmpi slt, %add3A_304, %select_n3A_290 : vector<16xi32>
        %and3A_308 = arith.andi %eq3A_306, %lt3A_307 : vector<16xi1>
        %or3A_309 = arith.ori %gt3A_305, %and3A_308 : vector<16xi1>
        %select_n3A_310 = arith.select %or3A_309, %get3A_294, %select_n3A_289 : vector<16xi1>, vector<16xf32>
        %select_n3A_311 = arith.select %or3A_309, %add3A_304, %select_n3A_290 : vector<16xi1>, vector<16xi32>
        %get3A_312 = arith.constant 14 : i32
        %get3A_313 = arith.index_cast %get3A_312 : i32 to index
        %get3A_314 = arith.constant 0 : index
        %get3A_315 = tpu.vector_load %arg9[%get3A_313, %get3A_314] {strides = array<i32>} : memref<16x16xf32, #tpu.memory_space<vmem>>, vector<16xf32>,
        %get3A_316 = arith.constant 14 : i32
        %get3A_317 = arith.index_cast %get3A_316 : i32 to index
        %get3A_318 = arith.constant 0 : index
        %get3A_319 = tpu.vector_load %arg10[%get3A_317, %get3A_318] {strides = array<i32>} : memref<16x16xi32, #tpu.memory_space<vmem>>, vector<16xi32>,
        %mul3A_320 = arith.constant 16 : i32
        %mul3A_321 = vector.broadcast %mul3A_320 : i32 to vector<16xi32>
        %mul3A_322 = arith.muli %get3A_319, %mul3A_321 : vector<16xi32>
        %add3A_323 = arith.constant 14 : i32
        %add3A_324 = vector.broadcast %add3A_323 : i32 to vector<16xi32>
        %add3A_325 = arith.addi %mul3A_322, %add3A_324 : vector<16xi32>
        %gt3A_326 = arith.cmpf ogt, %get3A_315, %select_n3A_310 : vector<16xf32>
        %eq3A_327 = arith.cmpf oeq, %get3A_315, %select_n3A_310 : vector<16xf32>
        %lt3A_328 = arith.cmpi slt, %add3A_325, %select_n3A_311 : vector<16xi32>
        %and3A_329 = arith.andi %eq3A_327, %lt3A_328 : vector<16xi1>
        %or3A_330 = arith.ori %gt3A_326, %and3A_329 : vector<16xi1>
        %select_n3A_331 = arith.select %or3A_330, %get3A_315, %select_n3A_310 : vector<16xi1>, vector<16xf32>
        %select_n3A_332 = arith.select %or3A_330, %add3A_325, %select_n3A_311 : vector<16xi1>, vector<16xi32>
        %get3A_333 = arith.constant 15 : i32
        %get3A_334 = arith.index_cast %get3A_333 : i32 to index
        %get3A_335 = arith.constant 0 : index
        %get3A_336 = tpu.vector_load %arg9[%get3A_334, %get3A_335] {strides = array<i32>} : memref<16x16xf32, #tpu.memory_space<vmem>>, vector<16xf32>,
        %get3A_337 = arith.constant 15 : i32
        %get3A_338 = arith.index_cast %get3A_337 : i32 to index
        %get3A_339 = arith.constant 0 : index
        %get3A_340 = tpu.vector_load %arg10[%get3A_338, %get3A_339] {strides = array<i32>} : memref<16x16xi32, #tpu.memory_space<vmem>>, vector<16xi32>,
        %mul3A_341 = arith.constant 16 : i32
        %mul3A_342 = vector.broadcast %mul3A_341 : i32 to vector<16xi32>
        %mul3A_343 = arith.muli %get3A_340, %mul3A_342 : vector<16xi32>
        %add3A_344 = arith.constant 15 : i32
        %add3A_345 = vector.broadcast %add3A_344 : i32 to vector<16xi32>
        %add3A_346 = arith.addi %mul3A_343, %add3A_345 : vector<16xi32>
        %gt3A_347 = arith.cmpf ogt, %get3A_336, %select_n3A_331 : vector<16xf32>
        %eq3A_348 = arith.cmpf oeq, %get3A_336, %select_n3A_331 : vector<16xf32>
        %lt3A_349 = arith.cmpi slt, %add3A_346, %select_n3A_332 : vector<16xi32>
        %and3A_350 = arith.andi %eq3A_348, %lt3A_349 : vector<16xi1>
        %or3A_351 = arith.ori %gt3A_347, %and3A_350 : vector<16xi1>
        %select_n3A_352 = arith.select %or3A_351, %get3A_336, %select_n3A_331 : vector<16xi1>, vector<16xf32>
        %select_n3A_353 = arith.select %or3A_351, %add3A_346, %select_n3A_332 : vector<16xi1>, vector<16xi32>
        %mul3A_354 = arith.constant 64 : i32
        %mul3A_355 = arith.muli %add3A_11, %mul3A_354 : i32
        %mul3A_356 = arith.constant 16 : i32
        %mul3A_357 = arith.muli %add3A_29, %mul3A_356 : i32
        %add3A_358 = arith.addi %mul3A_355, %mul3A_357 : i32
        %swap3A = arith.index_cast %add3A_358 : i32 to index
        %swap3A_359 = tpu.vector_load %arg11[%swap3A] {strides = array<i32>} : memref<512xf32, #tpu.memory_space<vmem>>, vector<16xf32>,
        tpu.vector_store %arg11[%swap3A], %select_n3A_352 {strides = array<i32>} : memref<512xf32, #tpu.memory_space<vmem>>, vector<16xf32>,
        %swap3A_360 = arith.index_cast %add3A_358 : i32 to index
        %swap3A_361 = tpu.vector_load %arg12[%swap3A_360] {strides = array<i32>} : memref<512xi32, #tpu.memory_space<vmem>>, vector<16xi32>,
        tpu.vector_store %arg12[%swap3A_360], %select_n3A_353 {strides = array<i32>} : memref<512xi32, #tpu.memory_space<vmem>>, vector<16xi32>,
      }
      %scan3A_24 = arith.constant 4 : i32
    }
    %scan3A_4 = arith.constant 8 : i32
    %mul3A_5 = arith.constant 512 : i32
    %mul3A_6 = arith.muli %add3A, %mul3A_5 : i32
    %multiple_of3A = tpu.assume_multiple %mul3A_6, 512 : i32
    "tpu.region"() ({
      %run_scoped3A = tpu.sem_alloc : memref<!tpu.dma_semaphore, #tpu.memory_space<semaphore_mem>>
      %dma_start3A = tpu.memref_slice %arg3[%multiple_of3A] : memref<16384xf32, #tpu.memory_space<hbm>> -> memref<512xf32, #tpu.memory_space<hbm>>
      %dma_start3A_7 = tpu.memref_slice %arg3[%multiple_of3A] : memref<16384xf32, #tpu.memory_space<hbm>> -> memref<512xf32, #tpu.memory_space<hbm>>
      tpu.enqueue_dma source(%arg11 : memref<512xf32, #tpu.memory_space<vmem>>) target(%dma_start3A_7 : memref<512xf32, #tpu.memory_space<hbm>>) target_semaphore(%run_scoped3A : memref<!tpu.dma_semaphore, #tpu.memory_space<semaphore_mem>>)
      %dma_wait3A = tpu.memref_slice %arg3[%multiple_of3A] : memref<16384xf32, #tpu.memory_space<hbm>> -> memref<512xf32, #tpu.memory_space<hbm>>
      %dma_wait3A_8 = tpu.memref_slice %arg3[%multiple_of3A] : memref<16384xf32, #tpu.memory_space<hbm>> -> memref<512xf32, #tpu.memory_space<hbm>>
      tpu.wait_dma2 semaphore(%run_scoped3A : memref<!tpu.dma_semaphore, #tpu.memory_space<semaphore_mem>>) src(%arg11 : memref<512xf32, #tpu.memory_space<vmem>>) dst(%dma_wait3A_8 : memref<512xf32, #tpu.memory_space<hbm>>)
      tpu.yield
    }) : () -> ()
    "tpu.region"() ({
      %run_scoped3A = tpu.sem_alloc : memref<!tpu.dma_semaphore, #tpu.memory_space<semaphore_mem>>
      %dma_start3A = tpu.memref_slice %arg4[%multiple_of3A] : memref<16384xi32, #tpu.memory_space<hbm>> -> memref<512xi32, #tpu.memory_space<hbm>>
      %dma_start3A_7 = tpu.memref_slice %arg4[%multiple_of3A] : memref<16384xi32, #tpu.memory_space<hbm>> -> memref<512xi32, #tpu.memory_space<hbm>>
      tpu.enqueue_dma source(%arg12 : memref<512xi32, #tpu.memory_space<vmem>>) target(%dma_start3A_7 : memref<512xi32, #tpu.memory_space<hbm>>) target_semaphore(%run_scoped3A : memref<!tpu.dma_semaphore, #tpu.memory_space<semaphore_mem>>)
      %dma_wait3A = tpu.memref_slice %arg4[%multiple_of3A] : memref<16384xi32, #tpu.memory_space<hbm>> -> memref<512xi32, #tpu.memory_space<hbm>>
      %dma_wait3A_8 = tpu.memref_slice %arg4[%multiple_of3A] : memref<16384xi32, #tpu.memory_space<hbm>> -> memref<512xi32, #tpu.memory_space<hbm>>
      tpu.wait_dma2 semaphore(%run_scoped3A : memref<!tpu.dma_semaphore, #tpu.memory_space<semaphore_mem>>) src(%arg12 : memref<512xi32, #tpu.memory_space<vmem>>) dst(%dma_wait3A_8 : memref<512xi32, #tpu.memory_space<hbm>>)
      tpu.yield
    }) : () -> ()
    return
  }
}

module attributes {stable_mosaic.version = 14 : i64} {
  func.func @_tc_body(%arg0: i32, %arg1: memref<2048x512xf32, #tpu.memory_space<vmem>>, %arg2: memref<2048xf32, #tpu.memory_space<vmem>>, %arg3: memref<2048xi32, #tpu.memory_space<vmem>>, %arg4: memref<1000x32xf32, #tpu.memory_space<vmem>>, %arg5: memref<2048x32xf32, #tpu.memory_space<vmem>>) attributes {dimension_semantics = [#tpu.dimension_semantics<arbitrary>], iteration_bounds = array<i64: 8>, scalar_prefetch = 0 : i64, scratch_operands = 0 : i64, tpu.core_type = #tpu.core_type<tc>, window_params = [{transform_indices = @transform_0, window_bounds = array<i64: 2048, 512>}, {transform_indices = @transform_1, window_bounds = array<i64: 2048>}, {transform_indices = @transform_2, window_bounds = array<i64: 2048>}, {pipeline_mode = #tpu.pipeline_mode<synchronous>, transform_indices = @transform_3, window_bounds = array<i64: 1000, 32>}, {transform_indices = @transform_4, window_bounds = array<i64: 2048, 32>}]} {
    %get3A = arith.constant 0 : index
    %get3A_0 = arith.constant 0 : index
    %get3A_1 = vector.load %arg1[%get3A, %get3A_0] : memref<2048x512xf32, #tpu.memory_space<vmem>>, vector<2048x512xf32>
    %iota3A = tpu.iota {dimensions = array<i32: 1>} : vector<2048x512xi32>
    %add3A = arith.constant 512 : i32
    %add3A_2 = vector.broadcast %add3A : i32 to vector<2048x512xi32>
    %add3A_3 = arith.addi %add3A_2, %iota3A : vector<2048x512xi32>
    %lt3A = arith.constant 1000 : i32
    %lt3A_4 = vector.broadcast %lt3A : i32 to vector<2048x512xi32>
    %lt3A_5 = arith.cmpi slt, %add3A_3, %lt3A_4 : vector<2048x512xi32>
    %jit3A = arith.constant 0xFF800000 : f32
    %broadcast_in_dim3A = vector.broadcast %jit3A : f32 to vector<2048x512xf32>
    %select_n3A = arith.select %lt3A_5, %get3A_1, %broadcast_in_dim3A : vector<2048x512xi1>, vector<2048x512xf32>
    %reduce_max3A = arith.constant dense<0xFF800000> : vector<2048xf32>
    %reduce_max3A_6 = vector.multi_reduction <maximumf>, %select_n3A, %reduce_max3A [1] : vector<2048x512xf32> to vector<2048xf32>
    %broadcast_in_dim3A_7 = vector.shape_cast %reduce_max3A_6 : vector<2048xf32> to vector<2048x1xf32>
    %get3A_8 = arith.constant 0 : index
    %get3A_9 = vector.load %arg2[%get3A_8] : memref<2048xf32, #tpu.memory_space<vmem>>, vector<2048xf32>
    %reshape3A = vector.shape_cast %get3A_9 : vector<2048xf32> to vector<2048x1xf32>
    %get3A_10 = arith.constant 0 : index
    %get3A_11 = vector.load %arg3[%get3A_10] : memref<2048xi32, #tpu.memory_space<vmem>>, vector<2048xi32>
    %reshape3A_12 = vector.shape_cast %get3A_11 : vector<2048xi32> to vector<2048x1xi32>
    %max3A = arith.maximumf %broadcast_in_dim3A_7, %reshape3A : vector<2048x1xf32>
    %eq3A = vector.broadcast %max3A : vector<2048x1xf32> to vector<2048x512xf32>
    %eq3A_13 = arith.cmpf oeq, %select_n3A, %eq3A : vector<2048x512xf32>
    %jit3A_14 = arith.constant 1000 : i32
    %broadcast_in_dim3A_15 = vector.broadcast %jit3A_14 : i32 to vector<2048x512xi32>
    %select_n3A_16 = arith.select %eq3A_13, %add3A_3, %broadcast_in_dim3A_15 : vector<2048x512xi1>, vector<2048x512xi32>
    %reduce_min3A = arith.constant dense<2147483647> : vector<2048xi32>
    %reduce_min3A_17 = vector.multi_reduction <minsi>, %select_n3A_16, %reduce_min3A [1] : vector<2048x512xi32> to vector<2048xi32>
    %broadcast_in_dim3A_18 = vector.shape_cast %reduce_min3A_17 : vector<2048xi32> to vector<2048x1xi32>
    %eq3A_19 = arith.cmpf oeq, %reshape3A, %max3A : vector<2048x1xf32>
    %jit3A_20 = arith.constant 1000 : i32
    %broadcast_in_dim3A_21 = vector.broadcast %jit3A_20 : i32 to vector<2048x1xi32>
    %select_n3A_22 = arith.select %eq3A_19, %reshape3A_12, %broadcast_in_dim3A_21 : vector<2048x1xi1>, vector<2048x1xi32>
    %min3A = arith.minsi %broadcast_in_dim3A_18, %select_n3A_22 : vector<2048x1xi32>
    %iota3A_23 = tpu.iota {dimensions = array<i32: 1>} : vector<2048x1000xi32>
    %eq3A_24 = vector.broadcast %min3A : vector<2048x1xi32> to vector<2048x1000xi32>
    %eq3A_25 = arith.cmpi eq, %iota3A_23, %eq3A_24 : vector<2048x1000xi32>
    %convert_element_type3A = arith.extui %eq3A_25 : vector<2048x1000xi1> to vector<2048x1000xi32>
    %convert_element_type3A_26 = arith.sitofp %convert_element_type3A : vector<2048x1000xi32> to vector<2048x1000xf32>
    %get3A_27 = arith.constant 0 : index
    %get3A_28 = arith.constant 0 : index
    %get3A_29 = vector.load %arg4[%get3A_27, %get3A_28] : memref<1000x32xf32, #tpu.memory_space<vmem>>, vector<1000x32xf32>
    %dot_general3A = arith.constant dense<0.000000e+00> : vector<2048x32xf32>
    %dot_general3A_30 = tpu.matmul %convert_element_type3A_26, %get3A_29, %dot_general3A {dimension_numbers = #tpu.dot_dimension_numbers<[1], [0], [0], [1], [0, 0, 1, 1], [], []>, transpose_lhs_hint = false} : vector<2048x1000xf32>, vector<1000x32xf32>, vector<2048x32xf32> -> vector<2048x32xf32>
    %swap3A = arith.constant 0 : index
    %swap3A_31 = arith.constant 0 : index
    %swap3A_32 = vector.load %arg5[%swap3A, %swap3A_31] : memref<2048x32xf32, #tpu.memory_space<vmem>>, vector<2048x32xf32>
    tpu.vector_store %arg5[%swap3A, %swap3A_31], %dot_general3A_30 {strides = array<i32>} : memref<2048x32xf32, #tpu.memory_space<vmem>>, vector<2048x32xf32>,
    return
  }
  func.func @transform_0(%arg0: i32) -> (i32, i32) {
    %c1_i32 = arith.constant 1 : i32
    %c0_i32 = arith.constant 0 : i32
    return %arg0, %c1_i32 : i32, i32
  }
  func.func @transform_1(%arg0: i32) -> i32 {
    %c0_i32 = arith.constant 0 : i32
    return %arg0 : i32
  }
  func.func @transform_2(%arg0: i32) -> i32 {
    %c0_i32 = arith.constant 0 : i32
    return %arg0 : i32
  }
  func.func @transform_3(%arg0: i32) -> (i32, i32) {
    %c0_i32 = arith.constant 0 : i32
    %c0_i32_0 = arith.constant 0 : i32
    %c0_i32_1 = arith.constant 0 : i32
    return %c0_i32, %c0_i32_0 : i32, i32
  }
  func.func @transform_4(%arg0: i32) -> (i32, i32) {
    %c0_i32 = arith.constant 0 : i32
    %c0_i32_0 = arith.constant 0 : i32
    return %arg0, %c0_i32 : i32, i32
  }
}

</mosaic_0001>

<sc_bundles>
// kernel: kernel.4.cloned.1.call-start
scs
__scs_entry_jumppad:
0x0: {  	(pc) =	sbr.rel $0x88, $3  }
0x1: {  	(tag) =	ssettag $0x0;
	lr =	simm.s32 $0x1  }
0x2: {  	[smem:$0x3F9F] =	sst lr;
	_ =	strace $0xD0000000  }
0x3: {  	_ = 	snop  }
0x4: {  	_ = 	snop  }
0x5: {  	_ = 	snop  }
0x6: {  	_ = 	snop  }
0x7: {  	_ = 	snop  }
__scs_overlays_trampoline_lowered:
0x8: {  	[smem:$0x3FAE] =	sst s0  }
0x9: {  	[smem:$0x3FAF] =	sst s1  }
0xa: {  	[smem:$0x3FB0] =	sst s2  }
0xb: {  	[smem:$0x3FB1] =	sst s3  }
0xc: {  	[smem:$0x3FB2] =	sst s4  }
0xd: {  	[smem:$0x3FB3] =	sst s5  }
0xe: {  	[smem:$0x3FB4] =	sst s6  }
0xf: {  	[smem:$0x3FB5] =	sst s7  }
0x10: {  	[smem:$0x3FB6] =	sst s8  }
0x11: {  	[smem:$0x3FB7] =	sst s9;
	s0 =	simm.s32 @!p0 $0x0  }
0x12: {  	s1 =	sld [smem:$0x3F9D];
	s0 =	simm.s32 @p0 $0x1  }
0x13: {  	[smem:$0x3FB8] =	sst s0;
	s0 =	simm.s32 @!p1 $0x0  }
0x14: {  	s2 =	sld [smem:$0x3F9C];
	s0 =	simm.s32 @p1 $0x1  }
0x15: {  	[smem:$0x3FB9] =	sst s0;
	s0 =	simm.s32 @!p2 $0x0  }
0x16: {  	s3 =	sld [smem:$0x3FDB];
	s0 =	simm.s32 @p2 $0x1  }
0x17: {  	s4 =	simm.s32 $0x1BF5;
	[smem:$0x3FBB] =	sst s0  }
0x18: {  	s0 =	sld [smem:$0x3F9E];
	_ =	swait.ge [sflag:s4], $0x0  }
0x19: {  	s7 =	sld [smem:$0x3F9F]  }
0x1a: {  	s8 =	sadd.s32 $0xFFFFE003, lr  }
0x1b: {  	s9 =	sadd.s32 $0xFFFFFEF7, lr;
	s5 =	simm.s32 $0xFFFFFFFF;
	p2 =	slt.u32 s8, $0xFFFFF086  }
0x1c: {  	p1 =	slt.u32 s9, $0xF7A;
	s5 =	simm.s32 @!p2 $0x0  }
0x1d: {  	s5 =	simm.s32 @p1 $0x1;
	p0 =	seq.s32 s7, s2  }
0x1e: {  	s7 =	smul.u32 @!p0 $0xF7A, s2;
	p2 =	seq.s32 @!p0 s5, $0x0  }
0x1f: {  	s9 =	smul.u32 $0xF7A, s1;
	s8 =	simm.s32 @!p0 $0x1BF5;
	p2 =	por !p2, p0  }
0x20: {  	[sflag:s8] =	ssyncset.s32 @!p0 $0xFFFFF086;
	s6 =	sadd.s32 @!p0 s3, s7;
	s7 =	simm.s32 @!p0 $0x108  }
0x21: {  	s3 =	sadd.s32 s3, s9;
	s6 =	sadd.s32 @!p0 $0x88, s6;
	s7 =	simm.s32 @p2 $0x1082  }
0x22: {  	[simem:s7], [sflag:s8] =	dma.local @!p0 [hbm:s6], $0xF7A  }
0x23: {  	s9 =	sor.u32 $0xD0000000, s2;
	s6 =	simm.s32 $0x108;
	_ =	swait.ge @!p0 [sflag:s8], $0x0  }
0x24: {  	s3 =	sadd.s32 $0x88, s3;
	s6 =	simm.s32 @!p1 $0x1082;
	[sflag:s4] =	ssyncset.s32 $0xFFFFF086  }
0x25: {  	[simem:s6], [sflag:s4] =	dma.local [hbm:s3], $0xF7A  }
0x26: {  	[smem:$0x3F9F] =	sst s1;
	(tag) =	ssettag s2;
	_ =	strace s9  }
0x27: {  	s1 =	sld [smem:$0x3FAF]  }
0x28: {  	s2 =	sld [smem:$0x3FB0]  }
0x29: {  	s4 =	sld [smem:$0x3FB2]  }
0x2a: {  	p0 =	seq.s32 s5, $0x0;
	s5 =	sld [smem:$0x3FB3]  }
0x2b: {  	s6 =	sld [smem:$0x3FB4]  }
0x2c: {  	s7 =	sld [smem:$0x3FB5]  }
0x2d: {  	s3 =	simm.s32 $0x108;
	s8 =	sld [smem:$0x3FB6]  }
0x2e: {  	s3 =	simm.s32 @!p0 $0x1082;
	s9 =	sld [smem:$0x3FB7]  }
0x2f: {  	lr =	sadd.s32 s0, s3;
	s0 =	sld [smem:$0x3FAE]  }
0x30: {  	s3 =	sld [smem:$0x3FB1]  }
0x31: {  	[smem:$0x3FBA] =	sst s10  }
0x32: {  	s10 =	sld [smem:$0x3FB8];
	_ =	sdelay $0x3  }
0x33: {  	p0 =	seq.s32 s10, $0x1;
	s10 =	sld [smem:$0x3FBA];
	_ =	sdelay $0x3  }
0x34: {  	[smem:$0x3FBA] =	sst s10  }
0x35: {  	s10 =	sld [smem:$0x3FB9];
	_ =	sdelay $0x3  }
0x36: {  	p1 =	seq.s32 s10, $0x1;
	s10 =	sld [smem:$0x3FBA];
	_ =	sdelay $0x3  }
0x37: {  	[smem:$0x3FBA] =	sst s10  }
0x38: {  	s10 =	sld [smem:$0x3FBB]  }
0x39: {  	_ = 	snop;
	(pc) =	sbr.ind lr, $3  }
0x3a: {  	_ = 	snop  }
0x3b: {  	_ = 	snop  }
0x3c: {  	p2 =	seq.s32 s10, $0x1;
	s10 =	sld [smem:$0x3FBA]  }
0x3d: {  	_ =	shalt  }
0x3e: {  	_ =	shalt  }
0x3f: {  	_ =	shalt  }
0x40: {  	_ =	shalt  }
0x41: {  	_ =	shalt  }
0x42: {  	_ =	shalt  }
0x43: {  	_ =	shalt  }
0x44: {  	_ =	shalt  }
0x45: {  	_ =	shalt  }
0x46: {  	_ =	shalt  }
0x47: {  	_ =	shalt  }
0x48: {  	_ =	shalt  }
0x49: {  	_ =	shalt  }
0x4a: {  	_ =	shalt  }
0x4b: {  	_ =	shalt  }
0x4c: {  	_ =	shalt  }
0x4d: {  	_ =	shalt  }
0x4e: {  	_ =	shalt  }
0x4f: {  	_ =	shalt  }
0x50: {  	_ =	shalt  }
0x51: {  	_ =	shalt  }
0x52: {  	_ =	shalt  }
0x53: {  	_ =	shalt  }
0x54: {  	_ =	shalt  }
0x55: {  	_ =	shalt  }
0x56: {  	_ =	shalt  }
0x57: {  	_ =	shalt  }
0x58: {  	_ =	shalt  }
0x59: {  	_ =	shalt  }
0x5a: {  	_ =	shalt  }
0x5b: {  	_ =	shalt  }
0x5c: {  	_ =	shalt  }
0x5d: {  	_ =	shalt  }
0x5e: {  	_ =	shalt  }
0x5f: {  	_ =	shalt  }
0x60: {  	_ =	shalt  }
0x61: {  	_ =	shalt  }
0x62: {  	_ =	shalt  }
0x63: {  	_ =	shalt  }
0x64: {  	_ =	shalt  }
0x65: {  	_ =	shalt  }
0x66: {  	_ =	shalt  }
0x67: {  	_ =	shalt  }
0x68: {  	_ =	shalt  }
0x69: {  	_ =	shalt  }
0x6a: {  	_ =	shalt  }
0x6b: {  	_ =	shalt  }
0x6c: {  	_ =	shalt  }
0x6d: {  	_ =	shalt  }
0x6e: {  	_ =	shalt  }
0x6f: {  	_ =	shalt  }
0x70: {  	_ =	shalt  }
0x71: {  	_ =	shalt  }
0x72: {  	_ =	shalt  }
0x73: {  	_ =	shalt  }
0x74: {  	_ =	shalt  }
0x75: {  	_ =	shalt  }
0x76: {  	_ =	shalt  }
0x77: {  	_ =	shalt  }
0x78: {  	_ =	shalt  }
0x79: {  	_ =	shalt  }
0x7a: {  	_ =	shalt  }
0x7b: {  	_ =	shalt  }
0x7c: {  	_ =	shalt  }
0x7d: {  	_ =	shalt  }
0x7e: {  	_ =	shalt  }
0x7f: {  	_ =	shalt  }
0x80: {  	_ =	shalt  }
0x81: {  	_ =	shalt  }
0x82: {  	_ =	shalt  }
0x83: {  	_ =	shalt  }
0x84: {  	_ =	shalt  }
0x85: {  	_ =	shalt  }
0x86: {  	_ =	shalt  }
0x87: {  	_ =	shalt  }
.Lfunc_end0:
.L_simem_size_0:
called_computation_lowered:
.L_overlay_start_0:
0x88: {  	s2 =	sld [smem:$0x3FD9]  }
0x89: {  	s3 =	sld [smem:$0x3FFE];
	_ =	sdelay $0x1  }
0x8a: {  	s1 =	srdreg.scid  }
0x8b: {  	s0 =	sand.u32 $0x1, s1  }
0x8c: {  	s17 =	sshll.u32 s0, $0xA;
	s2 =	sadd.s32 s3, s2  }
0x8d: {  	s2 =	sadd.s32 s2, s17  }
0x8e: {  	[smem:$0x3FC6] =	sst s2  }
0x8f: {  	_ = 	snop  }
0x90: {  	s2 =	sld [smem:$0x3FD0];
	(tm) =	ssettm $0x1  }
0x91: {  	s18 =	sld [smem:$0x3FFB];
	_ =	sdelay $0x3  }
0x92: {  	_ =	strace s18  }
0x93: {  	s3 =	sld [smem:$0x3FFC];
	_ =	sdelay $0x3  }
0x94: {  	_ =	strace s3  }
0x95: {  	s3 =	sld [smem:$0x3FFD];
	_ =	sdelay $0x3  }
0x96: {  	_ =	strace s3  }
0x97: {  	_ =	strace $0x8FFFFFFF  }
0x98: {  	s19 =	sld [smem:$0x3FDB];
	_ =	sdelay $0x1  }
0x99: {  	s4 =	simm.s32 $_scs_section_size  }
0x9a: {  	s5 =	simm.s32 $_size__tile_overlayer_lowered;
	s6 =	simm.s32 $_tile_overlayer_lowered  }
0x9b: {  	s22 =	simm.s32 $0x1BFF;
	s21 =	sshll.u32 s6, $0x1;
	s3 =	sadd.s32 s4, s19  }
0x9c: {  	s7 =	simm.s32 $0x0;
	s20 =	sshll.u32 s5, $0x1;
	s5 =	sadd.s32 s21, s3  }
0x9d: {  	[timem:s7], [sflag:s22] =	dma.local [hbm:s5], s20  }
0x9e: {  	_ =	swait.ge [sflag:s22], s20  }
0x9f: {  	s4 =	ssub.s32 $0x0, s20;
	[sflag:s22] =	ssyncset.done $0x0  }
0xa0: {  	[sflag:s22] =	ssyncadd.s32 s4;
	_ =	sdelay $0x1  }
0xa1: {  	s23 =	simm.s32 $0x1B8B  }
0xa2: {  	_ =	swait.ge [sflag:s23], $0x1  }
0xa3: {  	[sflag:s23] =	ssyncset.done $0x0  }
0xa4: {  	s25 =	simm.s32 $0x1B8E;
	s24 =	sld [smem:$0x3FFE];
	[sflag:s23] =	ssyncadd.s32 $0xFFFFFFFF  }
0xa5: {  	s26 =	simm.s32 $execute0_lowered;
	[smem:$0x3FD2] =	sst s25  }
0xa6: {  	s5 =	sshll.u32 s26, $0x1;
	_ =	strace $0x80000046;
	[dreg:$0x1] =	wrdreg $0xFFFFFFFF  }
0xa7: {  	s28 =	simm.s32 $_size_execute0_lowered;
	s3 =	sadd.s32 s3, s5;
	[dreg:$0x0] =	wrdreg $0x0  }
0xa8: {  	s5 =	sshll.u32 s28, $0x1;
	[dreg:$0x2] =	wrdreg s3  }
0xa9: {  	[dreg:$0x3] =	wrdreg s5  }
0xaa: {  	[dreg:$0x4] =	wrdreg $0xC0  }
0xab: {  	_ =	task [dreg:s7], $0x5FFFF  }
0xac: {  	[dreg:$0x1] =	wrdreg $0xFFFFFFFF  }
0xad: {  	[dreg:$0x0] =	wrdreg $0x60  }
0xae: {  	[dreg:$0x2] =	wrdreg s24  }
0xaf: {  	[dreg:$0x3] =	wrdreg s2  }
0xb0: {  	[dreg:$0x4] =	wrdreg $0x9  }
0xb1: {  	_ =	task.clear_ibuf [dreg:s7], $0x5FFFF;
	_ =	strace $0x90000046  }
0xb2: {  	s29 =	simm.s32 $0x9;
	_ =	strace $0x80000048  }
0xb3: {  	_ =	swait.ge [sflag:s29], $0x1  }
0xb4: {  	[sflag:s29] =	ssyncadd.s32 $0xFFFFFFFF  }
0xb5: {  	_ =	strace $0x90000048  }
0xb6: {  	_ =	sfence  }
0xb7: {  	s30 =	sld [smem:$0x0];
	_ =	sdelay $0x2  }
0xb8: {  	s31 =	sshll.u32 s1, $0xD;
	s1 =	sshrl.u32 s1, $0x2  }
0xb9: {  	s3 =	sand.u32 $0x4000, s31;
	s1 =	sadd.s32 s1, s30  }
0xba: {  	s0 =	sor.u32 s3, s0;
	s1 =	sshll.u32 s1, $0x11  }
0xbb: {  	s0 =	sor.u32 s1, s0  }
0xbc: {  	s0 =	sadd.s32 $0x8F2B, s0  }
0xbd: {  	[sflag:s0] =	ssyncadd.remote.s32 $0x1  }
0xbe: {  	_ =	sfence.sel $0xFFFF  }
0xbf: {  	[dreg:$0x0] =	wrdreg $0xFFFFFFFF;
	(pc) =	sbr.abs _section_cstart, $3  }
0xc0: {  	[dreg:$0x1] =	wrdreg $0xFFFFFFFF  }
0xc1: {  	_ =	task.clear_ibuf [dreg:s7], $0x2FFFF;
	_ =	strace $0x9FFFFFFF  }
0xc2: {  	(tm) =	ssettm $0x7FFFFFFF  }
0xc3: {  	_ =	shalt  }
tec
execute0_lowered:
.L_overlay_start_1:
0x0: {  	(tag) =	ssettag $0x1  }
0x1: {  	s0 =	rddreg [dreg:$0x0]  }
0x2: {  	s1 =	rddreg [dreg:$0x1];
	s3 =	srdreg.scid  }
0x3: {  	s4 =	stileid.u32;
	s2 =	simm.s32 $0x0;
	s11 =	simm.s32 $0x400  }
0x4: {  	s12 =	simm.s32 $0x2000;
	s13 =	simm.s32 $0x1;
	s14 =	simm.s32 $0x4000  }
0x5: {  	s15 =	simm.s32 $0x6000;
	s16 =	simm.s32 $0x8000;
	s17 =	simm.s32 $0x8800  }
0x6: {  	s19 =	simm.s32 $0x9200;
	s20 =	simm.s32 $0x0;
	s22 =	simm.s32 $0x0  }
0x7: {  	s3 =	sand.u32 $0x1, s3;
	s4 =	sshll.u32 s4, $0x1;
	[smem:$0x7FF] =	sst s2  }
0x8: {  	s7 =	sadd.s32 $0xF80, s0;
	s4 =	sor.u32 s3, s4;
	_ =	strace $0x80000047  }
0x9: {  	s5 =	ssub.s32 $0x2, s3;
	s3 =	sadd.s32 $0xE00, s0;
	s8 =	sshll.u32 s4, $0x6  }
0xa: {  	s6 =	sshrl.u32 s5, $0x1;
	s4 =	sshll.u32 s4, $0x10;
	s9 =	sadd.s32 s8, s0  }
0xb: {  	v1 =	vlaneseq.u32;
	s10 =	ssub.s32 s5, s6;
	s5 =	sadd.s32 $0xE80, s0;
	s6 =	sadd.s32 $0xF00, s0  }
0xc: {  	v0 =	vimm.s32 $0x0;
	v1 =	vmul.u32 $0x80, v1;
	s8 =	sadd.s32 s1, s8;
	s9 =	sadd.s32 $0x200E00, s9;
	s10 =	smax.u32 s10, $0x1  }
.LBB2_1:
0xd: {  	s21 =	simm.s32 $0x0  }
.LBB2_2:
0xe: {  	s0 =	sshll.u32 s21, $0xD  }
0xf: {  	s0 =	sadd.s32 s4, s0  }
0x10: {  	s1 =	sadd.s32 s3, s0  }
0x11: {  	[tilespmem:s22], [sflag:$0x1] =	stream.strided.gather [hbm4b:s1+s11], $0x2000, s12, s11, $0x38;
	[tilespmem:$0x9400] =	vst v63  }
0x12: {  	_ =	swait.ge [sflag:s13], $0x2000  }
0x13: {  	[sflag:s13] =	ssyncset.done $0x0  }
0x14: {  	s30 =	sadd.s32 s0, s5;
	[sflag:s13] =	ssyncadd.s32 $0xFFFFE000  }
0x15: {  	[tilespmem:s12], [sflag:$0x1] =	stream.strided.gather [hbm4b:s30+s11], $0x2000, s12, s11, $0x38;
	[tilespmem:$0x9400] =	vst v63  }
0x16: {  	_ =	swait.ge [sflag:s13], $0x2000  }
0x17: {  	[sflag:s13] =	ssyncset.done $0x0  }
0x18: {  	s31 =	sadd.s32 s0, s6;
	[sflag:s13] =	ssyncadd.s32 $0xFFFFE000  }
0x19: {  	[tilespmem:s14], [sflag:$0x1] =	stream.strided.gather [hbm4b:s31+s11], $0x2000, s12, s11, $0x38;
	[tilespmem:$0x9400] =	vst v63  }
0x1a: {  	_ =	swait.ge [sflag:s13], $0x2000  }
0x1b: {  	[sflag:s13] =	ssyncset.done $0x0  }
0x1c: {  	s0 =	sadd.s32 s0, s7;
	[sflag:s13] =	ssyncadd.s32 $0xFFFFE000  }
0x1d: {  	[tilespmem:s15], [sflag:$0x1] =	stream.strided.gather [hbm4b:s0+s11], $0x2000, s12, s11, $0x38;
	[tilespmem:$0x9400] =	vst v63  }
0x1e: {  	s18 =	sshll.u32 s21, $0x6;
	s23 =	simm.s32 $0x40;
	_ =	swait.ge [sflag:s13], $0x2000  }
0x1f: {  	s26 =	simm.s32 $0x6040;
	s28 =	simm.s32 $0x0;
	[sflag:s13] =	ssyncset.done $0x0  }
0x20: {  	v2 =	vmov s18;
	s1 =	simm.s32 $0x4040;
	s0 =	simm.s32 $0x2040;
	[sflag:s13] =	ssyncadd.s32 $0xFFFFE000  }
.LBB2_3:
0x21: {  	v3 =	vld [tilespmem:s23+$0xFFFFFFC0]  }
0x22: {  	v4 =	vld [tilespmem:s23+$0xFFFFFFD0];
	_ =	sdelay $0x1  }
0x23: {  	v5 =	vld [tilespmem:s23+$0xFFFFFFE0];
	_ =	sdelay $0x1  }
0x24: {  	v6 =	vld [tilespmem:s23+$0xFFFFFFF0]  }
0x25: {  	vm0 =	vgt.f32 v4, v3  }
0x26: {  	v3 =	vsel vm0, v4, v3;
	v4 =	vld [tilespmem:s23+$0x0]  }
0x27: {  	vm1 =	vgt.f32 v5, v3  }
0x28: {  	v3 =	vsel vm1, v5, v3;
	v5 =	vld [tilespmem:s23+$0x10]  }
0x29: {  	vm2 =	vgt.f32 v6, v3  }
0x2a: {  	v3 =	vsel vm2, v6, v3;
	v6 =	vld [tilespmem:s23+$0x20]  }
0x2b: {  	vm3 =	vgt.f32 v4, v3  }
0x2c: {  	v3 =	vsel vm3, v4, v3;
	v4 =	vld [tilespmem:s23+$0x30]  }
0x2d: {  	vm4 =	vgt.f32 v5, v3  }
0x2e: {  	v3 =	vsel vm4, v5, v3;
	v5 =	vld [tilespmem:s0+$0xFFFFFFC0]  }
0x2f: {  	vm5 =	vgt.f32 v6, v3  }
0x30: {  	v3 =	vsel vm5, v6, v3;
	v6 =	vld [tilespmem:s0+$0xFFFFFFD0]  }
0x31: {  	vm6 =	vgt.f32 v4, v3  }
0x32: {  	v3 =	vsel vm6, v4, v3;
	v4 =	vld [tilespmem:s0+$0xFFFFFFE0]  }
0x33: {  	vm7 =	vgt.f32 v5, v3  }
0x34: {  	v3 =	vsel vm7, v5, v3;
	v5 =	vld [tilespmem:s0+$0xFFFFFFF0]  }
0x35: {  	vm8 =	vgt.f32 v6, v3  }
0x36: {  	v3 =	vsel vm8, v6, v3;
	v6 =	vld [tilespmem:s0+$0x0]  }
0x37: {  	vm9 =	vgt.f32 v4, v3  }
0x38: {  	v3 =	vsel vm9, v4, v3;
	v4 =	vld [tilespmem:s0+$0x10]  }
0x39: {  	vm10 =	vgt.f32 v5, v3  }
0x3a: {  	v3 =	vsel vm10, v5, v3;
	v5 =	vld [tilespmem:s0+$0x20]  }
0x3b: {  	vm11 =	vgt.f32 v6, v3  }
0x3c: {  	v3 =	vsel vm11, v6, v3;
	v6 =	vld [tilespmem:s0+$0x30]  }
0x3d: {  	vm12 =	vgt.f32 v4, v3  }
0x3e: {  	v3 =	vsel vm12, v4, v3;
	v4 =	vld [tilespmem:s1+$0xFFFFFFC0]  }
0x3f: {  	vm13 =	vgt.f32 v5, v3  }
0x40: {  	v3 =	vsel vm13, v5, v3;
	v5 =	vld [tilespmem:s1+$0xFFFFFFD0]  }
0x41: {  	vm14 =	vgt.f32 v6, v3  }
0x42: {  	v3 =	vsel vm14, v6, v3;
	v6 =	vld [tilespmem:s1+$0xFFFFFFE0]  }
0x43: {  	vm15 =	vgt.f32 v4, v3  }
0x44: {  	v3 =	vsel vm15, v4, v3;
	v4 =	vld [tilespmem:s1+$0xFFFFFFF0]  }
0x45: {  	v7 =	vsel vm0, $0x1, v0;
	vm0 =	vgt.f32 v5, v3  }
0x46: {  	v7 =	vsel vm1, $0x2, v7;
	v3 =	vsel vm0, v5, v3;
	v5 =	vld [tilespmem:s1+$0x0]  }
0x47: {  	v7 =	vsel vm2, $0x3, v7;
	vm1 =	vgt.f32 v6, v3  }
0x48: {  	v7 =	vsel vm3, $0x4, v7;
	v3 =	vsel vm1, v6, v3;
	v6 =	vld [tilespmem:s1+$0x10]  }
0x49: {  	v7 =	vsel vm4, $0x5, v7;
	vm2 =	vgt.f32 v4, v3  }
0x4a: {  	v7 =	vsel vm5, $0x6, v7;
	v3 =	vsel vm2, v4, v3;
	v4 =	vld [tilespmem:s1+$0x20]  }
0x4b: {  	v7 =	vsel vm6, $0x7, v7;
	vm3 =	vgt.f32 v5, v3  }
0x4c: {  	v7 =	vsel vm7, $0x8, v7;
	v3 =	vsel vm3, v5, v3;
	v5 =	vld [tilespmem:s1+$0x30]  }
0x4d: {  	v7 =	vsel vm8, $0x9, v7;
	vm4 =	vgt.f32 v6, v3  }
0x4e: {  	v7 =	vsel vm9, $0xA, v7;
	v3 =	vsel vm4, v6, v3;
	v6 =	vld [tilespmem:s26+$0xFFFFFFC0]  }
0x4f: {  	v7 =	vsel vm10, $0xB, v7;
	vm5 =	vgt.f32 v4, v3  }
0x50: {  	v7 =	vsel vm11, $0xC, v7;
	v3 =	vsel vm5, v4, v3;
	v4 =	vld [tilespmem:s26+$0xFFFFFFD0]  }
0x51: {  	v7 =	vsel vm12, $0xD, v7;
	vm12 =	vgt.f32 v5, v3  }
0x52: {  	v7 =	vsel vm13, $0xE, v7;
	v3 =	vsel vm12, v5, v3;
	v5 =	vld [tilespmem:s26+$0xFFFFFFE0]  }
0x53: {  	v7 =	vsel vm14, $0xF, v7;
	vm14 =	vgt.f32 v6, v3  }
0x54: {  	v7 =	vsel vm15, $0x10, v7;
	v3 =	vsel vm14, v6, v3;
	v6 =	vld [tilespmem:s26+$0xFFFFFFF0]  }
0x55: {  	v7 =	vsel vm0, $0x11, v7;
	vm9 =	vgt.f32 v4, v3  }
0x56: {  	v7 =	vsel vm1, $0x12, v7;
	v3 =	vsel vm9, v4, v3;
	v4 =	vld [tilespmem:s26+$0x0]  }
0x57: {  	v7 =	vsel vm2, $0x13, v7;
	vm10 =	vgt.f32 v5, v3  }
0x58: {  	v7 =	vsel vm3, $0x14, v7;
	v3 =	vsel vm10, v5, v3;
	v5 =	vld [tilespmem:s26+$0x10]  }
0x59: {  	v7 =	vsel vm4, $0x15, v7;
	vm11 =	vgt.f32 v6, v3  }
0x5a: {  	v8 =	vmov s22;
	v7 =	vsel vm5, $0x16, v7;
	v3 =	vsel vm11, v6, v3;
	v6 =	vld [tilespmem:s26+$0x20]  }
0x5b: {  	v8 =	vand.u32 $0x7F, v8;
	v7 =	vsel vm12, $0x17, v7;
	vm12 =	vgt.f32 v4, v3  }
0x5c: {  	v8 =	vbroadcast v8, $0x0;
	v7 =	vsel vm14, $0x18, v7;
	v3 =	vsel vm12, v4, v3;
	v4 =	vld [tilespmem:s26+$0x30]  }
0x5d: {  	v7 =	vsel vm9, $0x19, v7;
	vm13 =	vgt.f32 v5, v3  }
0x5e: {  	v7 =	vsel vm10, $0x1A, v7;
	v5 =	vsel vm13, v5, v3;
	v3 =	vor.u32 v1, v8  }
0x5f: {  	v7 =	vsel vm11, $0x1B, v7;
	vm14 =	vgt.f32 v6, v5  }
0x60: {  	v7 =	vsel vm12, $0x1C, v7;
	v5 =	vsel vm14, v6, v5  }
0x61: {  	v6 =	vsel vm13, $0x1D, v7;
	vm15 =	vgt.f32 v4, v5  }
0x62: {  	s29 =	simm.s32 $0x1;
	s30 =	sadd.s32 $0x80, s26;
	v6 =	vsel vm14, $0x1E, v6;
	v5 =	vsel vm15, v4, v5  }
0x63: {  	s31 =	smov.u32 s23;
	s24 =	smov.u32 s0;
	s25 =	smov.u32 s1;
	v4 =	vsel vm15, $0x1F, v6;
	[tilespmem:v3+s16+$0x0] =	vst.idx.msk $0xffff, v5  }
.LBB2_4:
0x64: {  	[tilespmem:v3+s17+$0x0] =	vst.idx.msk $0xffff, v4;
	s31 =	sadd.s32 $0x80, s31;
	s24 =	sadd.s32 $0x80, s24;
	s25 =	sadd.s32 $0x80, s25  }
0x65: {  	p0 =	sne.s32 s29, $0xF;
	s18 =	smov.u32 s29;
	s29 =	sadd.s32 $0x1, s29;
	v3 =	vld [tilespmem:s31+$0xFFFFFFC0]  }
0x66: {  	v4 =	vld [tilespmem:s31+$0xFFFFFFD0];
	_ =	sdelay $0x1  }
0x67: {  	v5 =	vld [tilespmem:s31+$0xFFFFFFE0];
	_ =	sdelay $0x1  }
0x68: {  	v6 =	vld [tilespmem:s31+$0xFFFFFFF0]  }
0x69: {  	vm0 =	vgt.f32 v4, v3  }
0x6a: {  	v3 =	vsel vm0, v4, v3;
	v4 =	vld [tilespmem:s31+$0x0]  }
0x6b: {  	vm1 =	vgt.f32 v5, v3  }
0x6c: {  	v3 =	vsel vm1, v5, v3;
	v5 =	vld [tilespmem:s31+$0x10]  }
0x6d: {  	vm2 =	vgt.f32 v6, v3  }
0x6e: {  	v3 =	vsel vm2, v6, v3;
	v6 =	vld [tilespmem:s31+$0x20]  }
0x6f: {  	vm3 =	vgt.f32 v4, v3  }
0x70: {  	v3 =	vsel vm3, v4, v3;
	v4 =	vld [tilespmem:s31+$0x30]  }
0x71: {  	vm4 =	vgt.f32 v5, v3  }
0x72: {  	v3 =	vsel vm4, v5, v3;
	v5 =	vld [tilespmem:s24+$0xFFFFFFC0]  }
0x73: {  	vm5 =	vgt.f32 v6, v3  }
0x74: {  	v3 =	vsel vm5, v6, v3;
	v6 =	vld [tilespmem:s24+$0xFFFFFFD0]  }
0x75: {  	vm6 =	vgt.f32 v4, v3  }
0x76: {  	v3 =	vsel vm6, v4, v3;
	v4 =	vld [tilespmem:s24+$0xFFFFFFE0]  }
0x77: {  	vm7 =	vgt.f32 v5, v3  }
0x78: {  	v3 =	vsel vm7, v5, v3;
	v5 =	vld [tilespmem:s24+$0xFFFFFFF0]  }
0x79: {  	vm8 =	vgt.f32 v6, v3  }
0x7a: {  	v3 =	vsel vm8, v6, v3;
	v6 =	vld [tilespmem:s24+$0x0]  }
0x7b: {  	vm9 =	vgt.f32 v4, v3  }
0x7c: {  	v3 =	vsel vm9, v4, v3;
	v4 =	vld [tilespmem:s24+$0x10]  }
0x7d: {  	vm10 =	vgt.f32 v5, v3  }
0x7e: {  	v3 =	vsel vm10, v5, v3;
	v5 =	vld [tilespmem:s24+$0x20]  }
0x7f: {  	vm11 =	vgt.f32 v6, v3  }
0x80: {  	v3 =	vsel vm11, v6, v3;
	v6 =	vld [tilespmem:s24+$0x30]  }
0x81: {  	vm12 =	vgt.f32 v4, v3  }
0x82: {  	v3 =	vsel vm12, v4, v3;
	v4 =	vld [tilespmem:s25+$0xFFFFFFC0]  }
0x83: {  	vm13 =	vgt.f32 v5, v3  }
0x84: {  	v3 =	vsel vm13, v5, v3;
	v5 =	vld [tilespmem:s25+$0xFFFFFFD0]  }
0x85: {  	vm14 =	vgt.f32 v6, v3  }
0x86: {  	v3 =	vsel vm14, v6, v3;
	v6 =	vld [tilespmem:s25+$0xFFFFFFE0]  }
0x87: {  	vm15 =	vgt.f32 v4, v3  }
0x88: {  	v3 =	vsel vm15, v4, v3;
	v4 =	vld [tilespmem:s25+$0xFFFFFFF0]  }
0x89: {  	v7 =	vsel vm0, $0x1, v0;
	vm0 =	vgt.f32 v5, v3  }
0x8a: {  	v7 =	vsel vm1, $0x2, v7;
	v3 =	vsel vm0, v5, v3;
	v5 =	vld [tilespmem:s25+$0x0]  }
0x8b: {  	v7 =	vsel vm2, $0x3, v7;
	vm1 =	vgt.f32 v6, v3  }
0x8c: {  	v7 =	vsel vm3, $0x4, v7;
	v3 =	vsel vm1, v6, v3;
	v6 =	vld [tilespmem:s25+$0x10]  }
0x8d: {  	v7 =	vsel vm4, $0x5, v7;
	vm2 =	vgt.f32 v4, v3  }
0x8e: {  	v7 =	vsel vm5, $0x6, v7;
	v3 =	vsel vm2, v4, v3;
	v4 =	vld [tilespmem:s25+$0x20]  }
0x8f: {  	v7 =	vsel vm6, $0x7, v7;
	vm3 =	vgt.f32 v5, v3  }
0x90: {  	v7 =	vsel vm7, $0x8, v7;
	v3 =	vsel vm3, v5, v3;
	v5 =	vld [tilespmem:s25+$0x30]  }
0x91: {  	v7 =	vsel vm8, $0x9, v7;
	vm4 =	vgt.f32 v6, v3  }
0x92: {  	v7 =	vsel vm9, $0xA, v7;
	v3 =	vsel vm4, v6, v3;
	v6 =	vld [tilespmem:s30+$0xFFFFFFC0]  }
0x93: {  	v7 =	vsel vm10, $0xB, v7;
	vm5 =	vgt.f32 v4, v3  }
0x94: {  	v7 =	vsel vm11, $0xC, v7;
	v3 =	vsel vm5, v4, v3;
	v4 =	vld [tilespmem:s30+$0xFFFFFFD0]  }
0x95: {  	v7 =	vsel vm12, $0xD, v7;
	vm6 =	vgt.f32 v5, v3  }
0x96: {  	v7 =	vsel vm13, $0xE, v7;
	v3 =	vsel vm6, v5, v3;
	v5 =	vld [tilespmem:s30+$0xFFFFFFE0]  }
0x97: {  	v7 =	vsel vm14, $0xF, v7;
	vm7 =	vgt.f32 v6, v3  }
0x98: {  	v7 =	vsel vm15, $0x10, v7;
	v3 =	vsel vm7, v6, v3;
	v6 =	vld [tilespmem:s30+$0xFFFFFFF0]  }
0x99: {  	v7 =	vsel vm0, $0x11, v7;
	vm0 =	vgt.f32 v4, v3  }
0x9a: {  	v7 =	vsel vm1, $0x12, v7;
	v3 =	vsel vm0, v4, v3;
	v4 =	vld [tilespmem:s30+$0x0]  }
0x9b: {  	v7 =	vsel vm2, $0x13, v7;
	vm1 =	vgt.f32 v5, v3  }
0x9c: {  	v7 =	vsel vm3, $0x14, v7;
	v3 =	vsel vm1, v5, v3;
	v5 =	vld [tilespmem:s30+$0x10]  }
0x9d: {  	v7 =	vsel vm4, $0x15, v7;
	vm2 =	vgt.f32 v6, v3  }
0x9e: {  	v8 =	vmov s18;
	v7 =	vsel vm5, $0x16, v7;
	v3 =	vsel vm2, v6, v3;
	v6 =	vld [tilespmem:s30+$0x20]  }
0x9f: {  	v8 =	vand.u32 $0x7F, v8;
	v7 =	vsel vm6, $0x17, v7;
	vm3 =	vgt.f32 v4, v3  }
0xa0: {  	v8 =	vbroadcast v8, $0x0;
	v7 =	vsel vm7, $0x18, v7;
	v3 =	vsel vm3, v4, v3;
	v4 =	vld [tilespmem:s30+$0x30]  }
0xa1: {  	v7 =	vsel vm0, $0x19, v7;
	vm0 =	vgt.f32 v5, v3  }
0xa2: {  	v7 =	vsel vm1, $0x1A, v7;
	v5 =	vsel vm0, v5, v3;
	v3 =	vor.u32 v1, v8  }
.Ltmp0:
0xa3: {  	v7 =	vsel vm2, $0x1B, v7;
	vm1 =	vgt.f32 v6, v5;
	(pc) =	sbr.rel @p0 .LBB2_4-.Ltmp0, $4  }
0xa4: {  	v7 =	vsel vm3, $0x1C, v7;
	v5 =	vsel vm1, v6, v5  }
0xa5: {  	v6 =	vsel vm0, $0x1D, v7;
	vm0 =	vgt.f32 v4, v5  }
0xa6: {  	v6 =	vsel vm1, $0x1E, v6;
	v5 =	vsel vm0, v4, v5  }
0xa7: {  	s30 =	sadd.s32 $0x80, s30;
	v4 =	vsel vm0, $0x1F, v6;
	[tilespmem:v3+s16+$0x0] =	vst.idx.msk $0xffff, v5  }
0xa8: {  	_ =	sdelay $0x3  }
0xa9: {  	[tilespmem:v3+s17+$0x0] =	vst.idx.msk $0xffff, v4  }
0xaa: {  	v3 =	vld [tilespmem:$0x8000]  }
0xab: {  	v4 =	vld [tilespmem:$0x8880]  }
0xac: {  	v5 =	vld [tilespmem:$0x8800]  }
0xad: {  	v6 =	vld [tilespmem:$0x8080];
	_ =	sdelay $0x1  }
0xae: {  	v7 =	vld [tilespmem:$0x8900]  }
0xaf: {  	v4 =	vshll.u32 v4, $0x4  }
0xb0: {  	v8 =	vld [tilespmem:$0x8100];
	v5 =	vshll.u32 v5, $0x4;
	v4 =	vor.u32 $0x1, v4  }
0xb1: {  	vm0 =	veq.f32 v6, v3;
	vm1 =	vlt.s32 v4, v5  }
0xb2: {  	v9 =	vld [tilespmem:$0x8980];
	vm2 =	vgt.f32 v6, v3;
	vm0 =	vmand vm0, vm1  }
0xb3: {  	v7 =	vshll.u32 v7, $0x4;
	vm0 =	vmor vm2, vm0  }
0xb4: {  	v25 =	vld [tilespmem:$0x8180];
	v24 =	vor.u32 $0x2, v7;
	v3 =	vsel vm0, v6, v3;
	v4 =	vsel vm0, v4, v5  }
0xb5: {  	vm10 =	veq.f32 v8, v3;
	vm11 =	vlt.s32 v24, v4  }
0xb6: {  	v26 =	vld [tilespmem:$0x8A00];
	vm12 =	vgt.f32 v8, v3;
	vm0 =	vmand vm10, vm11  }
0xb7: {  	v9 =	vshll.u32 v9, $0x4;
	vm0 =	vmor vm12, vm0  }
0xb8: {  	v28 =	vld [tilespmem:$0x8200];
	v27 =	vor.u32 $0x3, v9;
	v3 =	vsel vm0, v8, v3;
	v4 =	vsel vm0, v24, v4  }
0xb9: {  	vm13 =	veq.f32 v25, v3;
	vm14 =	vlt.s32 v27, v4  }
0xba: {  	v29 =	vld [tilespmem:$0x8A80];
	vm15 =	vgt.f32 v25, v3;
	vm0 =	vmand vm13, vm14  }
0xbb: {  	v7 =	vshll.u32 v26, $0x4;
	vm0 =	vmor vm15, vm0  }
0xbc: {  	v31 =	vld [tilespmem:$0x8280];
	v30 =	vor.u32 $0x4, v7;
	v3 =	vsel vm0, v25, v3;
	v4 =	vsel vm0, v27, v4  }
0xbd: {  	vm4 =	veq.f32 v28, v3;
	vm5 =	vlt.s32 v30, v4  }
0xbe: {  	v32 =	vld [tilespmem:$0x8B00];
	vm6 =	vgt.f32 v28, v3;
	vm0 =	vmand vm4, vm5  }
0xbf: {  	v9 =	vshll.u32 v29, $0x4;
	vm0 =	vmor vm6, vm0  }
0xc0: {  	v34 =	vld [tilespmem:$0x8300];
	v33 =	vor.u32 $0x5, v9;
	v3 =	vsel vm0, v28, v3;
	v4 =	vsel vm0, v30, v4  }
0xc1: {  	vm7 =	veq.f32 v31, v3;
	vm8 =	vlt.s32 v33, v4  }
0xc2: {  	v35 =	vld [tilespmem:$0x8B80];
	vm9 =	vgt.f32 v31, v3;
	vm0 =	vmand vm7, vm8  }
0xc3: {  	v7 =	vshll.u32 v32, $0x4;
	vm0 =	vmor vm9, vm0  }
0xc4: {  	v37 =	vld [tilespmem:$0x8380];
	v36 =	vor.u32 $0x6, v7;
	v3 =	vsel vm0, v31, v3;
	v4 =	vsel vm0, v33, v4  }
0xc5: {  	vm10 =	veq.f32 v34, v3;
	vm11 =	vlt.s32 v36, v4  }
0xc6: {  	v38 =	vld [tilespmem:$0x8C00];
	vm12 =	vgt.f32 v34, v3;
	vm0 =	vmand vm10, vm11  }
0xc7: {  	v9 =	vshll.u32 v35, $0x4;
	vm0 =	vmor vm12, vm0  }
0xc8: {  	v40 =	vld [tilespmem:$0x8400];
	v39 =	vor.u32 $0x7, v9;
	v3 =	vsel vm0, v34, v3;
	v4 =	vsel vm0, v36, v4  }
0xc9: {  	vm13 =	veq.f32 v37, v3;
	vm14 =	vlt.s32 v39, v4  }
0xca: {  	v41 =	vld [tilespmem:$0x8C80];
	vm15 =	vgt.f32 v37, v3;
	vm0 =	vmand vm13, vm14  }
0xcb: {  	v7 =	vshll.u32 v38, $0x4;
	vm0 =	vmor vm15, vm0  }
0xcc: {  	v43 =	vld [tilespmem:$0x8480];
	v42 =	vor.u32 $0x8, v7;
	v3 =	vsel vm0, v37, v3;
	v4 =	vsel vm0, v39, v4  }
0xcd: {  	vm4 =	veq.f32 v40, v3;
	vm5 =	vlt.s32 v42, v4  }
0xce: {  	v44 =	vld [tilespmem:$0x8D00];
	vm6 =	vgt.f32 v40, v3;
	vm0 =	vmand vm4, vm5  }
0xcf: {  	v9 =	vshll.u32 v41, $0x4;
	vm0 =	vmor vm6, vm0  }
0xd0: {  	v46 =	vld [tilespmem:$0x8500];
	v45 =	vor.u32 $0x9, v9;
	v3 =	vsel vm0, v40, v3;
	v4 =	vsel vm0, v42, v4  }
0xd1: {  	vm7 =	veq.f32 v43, v3;
	vm8 =	vlt.s32 v45, v4  }
0xd2: {  	v47 =	vld [tilespmem:$0x8D80];
	vm9 =	vgt.f32 v43, v3;
	vm0 =	vmand vm7, vm8  }
0xd3: {  	v7 =	vshll.u32 v44, $0x4;
	vm0 =	vmor vm9, vm0  }
0xd4: {  	v49 =	vld [tilespmem:$0x8580];
	v48 =	vor.u32 $0xA, v7;
	v3 =	vsel vm0, v43, v3;
	v4 =	vsel vm0, v45, v4  }
0xd5: {  	vm10 =	veq.f32 v46, v3;
	vm11 =	vlt.s32 v48, v4  }
0xd6: {  	v50 =	vld [tilespmem:$0x8E00];
	vm12 =	vgt.f32 v46, v3;
	vm0 =	vmand vm10, vm11  }
0xd7: {  	v9 =	vshll.u32 v47, $0x4;
	vm0 =	vmor vm12, vm0  }
0xd8: {  	v52 =	vld [tilespmem:$0x8600];
	v51 =	vor.u32 $0xB, v9;
	v3 =	vsel vm0, v46, v3;
	v4 =	vsel vm0, v48, v4  }
0xd9: {  	vm13 =	veq.f32 v49, v3;
	vm14 =	vlt.s32 v51, v4  }
0xda: {  	v53 =	vld [tilespmem:$0x8E80];
	vm15 =	vgt.f32 v49, v3;
	vm0 =	vmand vm13, vm14  }
0xdb: {  	v7 =	vshll.u32 v50, $0x4;
	vm0 =	vmor vm15, vm0  }
0xdc: {  	v55 =	vld [tilespmem:$0x8680];
	v54 =	vor.u32 $0xC, v7;
	v3 =	vsel vm0, v49, v3;
	v4 =	vsel vm0, v51, v4  }
0xdd: {  	vm4 =	veq.f32 v52, v3;
	vm5 =	vlt.s32 v54, v4  }
0xde: {  	v56 =	vld [tilespmem:$0x8F00];
	vm6 =	vgt.f32 v52, v3;
	vm0 =	vmand vm4, vm5  }
0xdf: {  	v9 =	vshll.u32 v53, $0x4;
	vm0 =	vmor vm6, vm0  }
0xe0: {  	v58 =	vld [tilespmem:$0x8700];
	v57 =	vor.u32 $0xD, v9;
	v3 =	vsel vm0, v52, v3;
	v4 =	vsel vm0, v54, v4  }
0xe1: {  	vm7 =	veq.f32 v55, v3;
	vm8 =	vlt.s32 v57, v4  }
0xe2: {  	v59 =	vld [tilespmem:$0x8F80];
	vm9 =	vgt.f32 v55, v3;
	vm0 =	vmand vm7, vm8  }
0xe3: {  	v7 =	vshll.u32 v56, $0x4;
	vm0 =	vmor vm9, vm0  }
0xe4: {  	v61 =	vld [tilespmem:$0x8780];
	v60 =	vor.u32 $0xE, v7;
	v3 =	vsel vm0, v55, v3;
	v4 =	vsel vm0, v57, v4  }
0xe5: {  	vm10 =	veq.f32 v58, v3;
	vm11 =	vlt.s32 v60, v4  }
0xe6: {  	vm12 =	vgt.f32 v58, v3;
	vm0 =	vmand vm10, vm11  }
0xe7: {  	v62 =	vshll.u32 v59, $0x4;
	vm0 =	vmor vm12, vm0  }
0xe8: {  	s18 =	sshll.u32 s28, $0x4;
	s28 =	sadd.s32 $0x1, s28;
	v63 =	vor.u32 $0xF, v62;
	v3 =	vsel vm0, v58, v3;
	v4 =	vsel vm0, v60, v4  }
0xe9: {  	p0 =	sne.s32 s28, $0x4;
	vm13 =	veq.f32 v61, v3;
	vm14 =	vlt.s32 v63, v4  }
.Ltmp1:
0xea: {  	vm15 =	vgt.f32 v61, v3;
	vm0 =	vmand vm13, vm14;
	(pc) =	sbr.rel @p0 .LBB2_3-.Ltmp1, $4  }
0xeb: {  	vm0 =	vmor vm15, vm0  }
0xec: {  	v3 =	vsel vm0, v61, v3  }
0xed: {  	s23 =	sadd.s32 $0x800, s23;
	v4 =	vsel vm0, v63, v4;
	[tilespmem:v2+s18+$0x9000 ss:$0x1] =	vst.idx.msk $0xffff, v3  }
0xee: {  	s0 =	sadd.s32 $0x800, s0;
	s1 =	sadd.s32 $0x800, s1;
	s26 =	sadd.s32 $0x800, s26;
	[tilespmem:v2+s18+$0x9200 ss:$0x1] =	vst.idx.msk $0xffff, v4  }
0xef: {  	s21 =	sadd.s32 $0x1, s21  }
0xf0: {  	p0 =	sne.s32 s21, $0x8  }
.Ltmp2:
0xf1: {  	_ = 	snop;
	(pc) =	sbr.rel @p0 .LBB2_2-.Ltmp2, $1  }
0xf2: {  	_ =	sdelay $0x3  }
0xf3: {  	s0 =	simm.s32 $0x9000  }
0xf4: {  	[hbm4b:s8+s2] =	stream.linear.scatter [tilespmem:s0], [sflag:$0x1], $0x200, $0x38;
	[tilespmem:$0x9400] =	vst v63  }
0xf5: {  	s20 =	sadd.s32 $0x1, s20;
	_ =	swait.ge [sflag:s13], $0x200  }
0xf6: {  	p0 =	sne.s32 s20, s10;
	[sflag:s13] =	ssyncset.done $0x0  }
.Ltmp3:
0xf7: {  	[sflag:s13] =	ssyncadd.s32 $0xFFFFFE00;
	(pc) =	sbr.rel @p0 .LBB2_1-.Ltmp3, $4  }
0xf8: {  	[hbm4b:s9+s2] =	stream.linear.scatter [tilespmem:s19], [sflag:$0x1], $0x200, $0x38;
	[tilespmem:$0x9400] =	vst v63  }
0xf9: {  	_ =	swait.ge [sflag:s13], $0x200  }
0xfa: {  	[sflag:s13] =	ssyncset.done $0x0  }
0xfb: {  	[sflag:s13] =	ssyncadd.s32 $0xFFFFFE00  }
0xfc: {  	_ =	sfence.sel $0x180000  }
0xfd: {  	[bflag:$0x0] =	sbarrier.arrive $0xFFFF  }
0xfe: {  	_ =	strace $0x90000047  }
0xff: {  	s0 =	stileid.u32;
	[bflag:$0x2] =	sbarrier.arrive $0xFFFF  }
0x100: {  	p0 =	sne.s32 s0, $0x0;
	s0 =	rddreg [dreg:$0x2]  }
0x101: {  	s0 =	sadd.s32 @!p0 $0x100000, s0  }
0x102: {  	[sflag:s0] =	ssyncadd.tile.s32 @!p0 $0x1;
	_ =	shalt  }
.Lfunc_end2:
_tile_overlayer_lowered:
.L_overlay_start_2:
0x103: {  	(tag) =	ssettag $0x2  }
0x104: {  	s0 =	rddreg [dreg:$0x0];
	s2 =	stileid.u32  }
0x105: {  	s1 =	rddreg [dreg:$0x1];
	p0 =	sne.s32 s2, $0x0  }
0x106: {  	s3 =	rddreg [dreg:$0x2];
	[bflag:$0x3] =	sbarrier.arrive $0xFFFF;
	s2 =	simm.s32 @!p0 $0x1C01  }
0x107: {  	[timem:s3], [sflag:s2] =	dma.local @!p0 [hbm:s0], s1  }
0x108: {  	s0 =	simm.s32 @!p0 $0x1  }
0x109: {  	_ =	swait.ge @!p0 [sflag:s0], s1  }
0x10a: {  	s1 =	ssub.s32 @!p0 $0x0, s1;
	[sflag:s0] =	ssyncset.done @!p0 $0x0  }
0x10b: {  	[sflag:s0] =	ssyncadd.s32 @!p0 s1  }
0x10c: {  	[bflag:$0x3] =	sbarrier.arrive $0xFFFF  }
0x10d: {  	_ =	shalt  }

</sc_bundles>
